<compile_context>
chip_gen: v7x
topology: tpu7x:2x2x1
jax: 0.10.2.dev20260603
libtpu: 0.0.44.dev20260713+nightly
codegen_flags: <defaults>
</compile_context>

<pallas_src>
import functools

import jax
import jax.numpy as jnp
from jax import lax
from jax.experimental import pallas as pl
from jax.experimental.pallas import tpu as pltpu
from jax.experimental.pallas import tpu_sc as plsc

BATCH = 16384
EMBED_DIM = 128
_CHUNK = 128


_NBUF = 4


def _gather_tec_body(nc, bpw, uidx, iidx, utab, itab, cat_out,
                     uidx_v, iidx_v, buf, *sems):
    wid = lax.axis_index("s") * nc + lax.axis_index("c")
    base = wid * bpw
    nck = bpw // _CHUNK
    pltpu.sync_copy(uidx.at[pl.ds(base, bpw)], uidx_v)
    pltpu.sync_copy(iidx.at[pl.ds(base, bpw)], iidx_v)
    gsems = sems[:_NBUF]
    ssems = sems[_NBUF:]
    tasks = ([(uidx_v, utab, 0, j) for j in range(nck)]
             + [(iidx_v, itab, EMBED_DIM, j) for j in range(nck)])
    gathers = [None] * _NBUF
    stores = [None] * _NBUF

    def drain(t):
        b = t % _NBUF
        _, _, col0, j = tasks[t]
        gathers[b].wait()
        stores[b] = pltpu.async_copy(
            buf.at[b],
            cat_out.at[pl.ds(base + j * _CHUNK, _CHUNK),
                       pl.ds(col0, EMBED_DIM)],
            ssems[b])

    for t, (iv, tab, col0, j) in enumerate(tasks):
        b = t % _NBUF
        if stores[b] is not None:
            stores[b].wait()
        gathers[b] = pltpu.async_copy(
            tab.at[iv.at[pl.ds(j * _CHUNK, _CHUNK)]], buf.at[b], gsems[b])
        if t >= _NBUF - 1:
            drain(t - _NBUF + 1)
    for t in range(len(tasks) - _NBUF + 1, len(tasks)):
        drain(t)
    for s in stores:
        if s is not None:
            s.wait()


def _sc_gather(user_indices, item_indices, user_emb, item_emb):
    info = plsc.get_sparse_core_info()
    nc, ns = info.num_cores, info.num_subcores
    nw = nc * ns
    bpw = BATCH // nw
    mesh = plsc.VectorSubcoreMesh(core_axis_name="c", subcore_axis_name="s")
    k = pl.kernel(
        functools.partial(_gather_tec_body, nc, bpw),
        mesh=mesh,
        out_type=jax.ShapeDtypeStruct((BATCH, 2 * EMBED_DIM), jnp.float32),
        scratch_types=[
            pltpu.VMEM((bpw,), jnp.int32),
            pltpu.VMEM((bpw,), jnp.int32),
            pltpu.VMEM((_NBUF, _CHUNK, EMBED_DIM), jnp.float32),
        ] + [pltpu.SemaphoreType.DMA] * (2 * _NBUF),
    )
    return k(user_indices, item_indices, user_emb, item_emb)


def _mlp_body(xin, w1, b1, w2, b2, w3, b3, wo, bo, out):
    x = jnp.dot(xin[...].astype(jnp.bfloat16), w1[...],
                preferred_element_type=jnp.float32)
    x = jnp.maximum(x + b1[...], 0.0).astype(jnp.bfloat16)
    x = jnp.maximum(jnp.dot(x, w2[...], preferred_element_type=jnp.float32) + b2[...], 0.0)
    x = jnp.maximum(jnp.dot(x, w3[...], preferred_element_type=jnp.float32) + b3[...], 0.0)
    y = lax.dot_general(wo[...], x, (((1,), (1,)), ((), ())),
                        preferred_element_type=jnp.float32)
    out[...] = y.reshape(out.shape) + bo[0, 0]


def _tc_mlp(xcat, w1_t, b1, w2_t, b2, w3_t, b3, wo, bo):
    blk = 4096
    grid = BATCH // blk
    full = lambda shape: pl.BlockSpec(shape, lambda i: (0, 0))
    return pl.pallas_call(
        _mlp_body,
        grid=(grid,),
        in_specs=[
            pl.BlockSpec((blk, 2 * EMBED_DIM), lambda i: (i, 0)),
            full(w1_t.shape),
            full(b1.shape),
            full(w2_t.shape),
            full(b2.shape),
            full(w3_t.shape),
            full(b3.shape),
            full(wo.shape),
            full(bo.shape),
        ],
        out_specs=pl.BlockSpec((blk // 128, 128), lambda i: (i, 0)),
        out_shape=jax.ShapeDtypeStruct((BATCH // 128, 128), jnp.float32),
    )(xcat, w1_t, b1, w2_t, b2, w3_t, b3, wo, bo).reshape(BATCH)


def kernel(user_indices, item_indices, user_emb, item_emb,
           W1, b1, W2, b2, W3, b3, Wo, bo):
    user_indices = user_indices.astype(jnp.int32)
    item_indices = item_indices.astype(jnp.int32)
    xcat = _sc_gather(user_indices, item_indices, user_emb, item_emb)
    return _tc_mlp(
        xcat,
        W1.T.astype(jnp.bfloat16), b1.reshape(1, -1),
        W2.T.astype(jnp.bfloat16), b2.reshape(1, -1),
        W3.T, b3.reshape(1, -1),
        Wo, bo.reshape(1, 1),
    )

# --- scband reference (transcript-rebuilt; emitter-appended) ---
"""Pipeline reference for scband-ncf-32727650796262 (READ-ONLY COPY).

The authoritative reference and input builder live on the scoring server;
editing this copy changes nothing except your own understanding.
"""

import jax, jax.numpy as jnp
import numpy as np

NUM_USERS = 100000
NUM_ITEMS = 100000
EMBED_DIM = 128
MLP = [512, 256, 128]
BATCH = 16384


def setup_inputs(seed: int = 0) -> dict:
    key = jax.random.key(seed)
    ks = jax.random.split(key, 12)
    user_indices = jax.random.randint(ks[0], (BATCH,), 0, NUM_USERS, dtype=jnp.int64) if jax.config.jax_enable_x64 else jax.random.randint(ks[0], (BATCH,), 0, NUM_USERS).astype(jnp.int32)
    item_indices = jax.random.randint(ks[1], (BATCH,), 0, NUM_ITEMS).astype(user_indices.dtype)
    user_emb = jax.random.normal(ks[2], (NUM_USERS, EMBED_DIM), dtype=jnp.float32) * 0.02
    item_emb = jax.random.normal(ks[3], (NUM_ITEMS, EMBED_DIM), dtype=jnp.float32) * 0.02
    in_dim = 2 * EMBED_DIM
    W1 = jax.random.normal(ks[4], (MLP[0], in_dim), dtype=jnp.float32) * (1.0 / np.sqrt(in_dim))
    b1 = jnp.zeros((MLP[0],), dtype=jnp.float32)
    W2 = jax.random.normal(ks[5], (MLP[1], MLP[0]), dtype=jnp.float32) * (1.0 / np.sqrt(MLP[0]))
    b2 = jnp.zeros((MLP[1],), dtype=jnp.float32)
    W3 = jax.random.normal(ks[6], (MLP[2], MLP[1]), dtype=jnp.float32) * (1.0 / np.sqrt(MLP[1]))
    b3 = jnp.zeros((MLP[2],), dtype=jnp.float32)
    Wo = jax.random.normal(ks[7], (1, MLP[2]), dtype=jnp.float32) * (1.0 / np.sqrt(MLP[2]))
    bo = jnp.zeros((1,), dtype=jnp.float32)
    return {
        'user_indices': user_indices,
        'item_indices': item_indices,
        'user_emb': user_emb,
        'item_emb': item_emb,
        'W1': W1, 'b1': b1, 'W2': W2, 'b2': b2, 'W3': W3, 'b3': b3,
        'Wo': Wo, 'bo': bo,
    }


def reference(user_indices, item_indices, user_emb, item_emb, W1, b1, W2, b2, W3, b3, Wo, bo):
    ue = jnp.take(user_emb, user_indices, axis=0)
    ie = jnp.take(item_emb, item_indices, axis=0)
    x = jnp.concatenate([ue, ie], axis=-1)
    x = jax.nn.relu(x @ W1.T + b1)
    x = jax.nn.relu(x @ W2.T + b2)
    x = jax.nn.relu(x @ W3.T + b3)
    out = x @ Wo.T + bo
    return jnp.squeeze(out, axis=-1)

if __name__ == "__main__":
    import jax
    _d = setup_inputs()
    print(jax.jit(kernel)(*tuple(_d.values())))

</pallas_src>

<mosaic_0001>
#map = affine_map<(d0, d1) -> (0)>
#map1 = affine_map<(d0, d1) -> (0, 0)>
module attributes {stable_mosaic.version = 14 : i64} {
  func.func @_gather_tec_body(%arg0: i32, %arg1: i32, %arg2: memref<16384xi32, #tpu.memory_space<hbm>>, %arg3: memref<16384xi32, #tpu.memory_space<hbm>>, %arg4: memref<100000x128xf32, #tpu.memory_space<hbm>>, %arg5: memref<100000x128xf32, #tpu.memory_space<hbm>>, %arg6: memref<16384x256xf32, #tpu.memory_space<hbm>>, %arg7: memref<512xi32, #tpu.memory_space<vmem>>, %arg8: memref<512xi32, #tpu.memory_space<vmem>>, %arg9: memref<4x128x128xf32, #tpu.memory_space<vmem>>, %arg10: memref<!tpu.dma_semaphore, #tpu.memory_space<semaphore_mem>>, %arg11: memref<!tpu.dma_semaphore, #tpu.memory_space<semaphore_mem>>, %arg12: memref<!tpu.dma_semaphore, #tpu.memory_space<semaphore_mem>>, %arg13: memref<!tpu.dma_semaphore, #tpu.memory_space<semaphore_mem>>, %arg14: memref<!tpu.dma_semaphore, #tpu.memory_space<semaphore_mem>>, %arg15: memref<!tpu.dma_semaphore, #tpu.memory_space<semaphore_mem>>, %arg16: memref<!tpu.dma_semaphore, #tpu.memory_space<semaphore_mem>>, %arg17: memref<!tpu.dma_semaphore, #tpu.memory_space<semaphore_mem>>) attributes {dimension_semantics = [#tpu.dimension_semantics<core_parallel>, #tpu.dimension_semantics<subcore_parallel>], iteration_bounds = array<i64: 2, 16>, scalar_prefetch = 0 : i64, scratch_operands = 11 : i64, tpu.core_type = #tpu.core_type<sc_vector_subcore>, window_params = [{transform_indices = #map}, {transform_indices = #map}, {transform_indices = #map1}, {transform_indices = #map1}, {transform_indices = #map1}]} {
    %mul3A = arith.constant 2 : i32
    %mul3A_0 = arith.muli %arg1, %mul3A : i32
    %add3A = arith.addi %mul3A_0, %arg0 : i32
    %mul3A_1 = arith.constant 512 : i32
    %mul3A_2 = arith.muli %add3A, %mul3A_1 : i32
    "tpu.region"() ({
      %run_scoped3A = tpu.sem_alloc : memref<!tpu.dma_semaphore, #tpu.memory_space<semaphore_mem>>
      %dma_start3A_385 = tpu.memref_slice %arg2[%mul3A_2] : memref<16384xi32, #tpu.memory_space<hbm>> -> memref<512xi32, #tpu.memory_space<hbm>>
      %dma_start3A_386 = tpu.memref_slice %arg2[%mul3A_2] : memref<16384xi32, #tpu.memory_space<hbm>> -> memref<512xi32, #tpu.memory_space<hbm>>
      tpu.enqueue_dma source(%dma_start3A_386 : memref<512xi32, #tpu.memory_space<hbm>>) target(%arg7 : memref<512xi32, #tpu.memory_space<vmem>>) target_semaphore(%run_scoped3A : memref<!tpu.dma_semaphore, #tpu.memory_space<semaphore_mem>>)
      %dma_wait3A_387 = tpu.memref_slice %arg2[%mul3A_2] : memref<16384xi32, #tpu.memory_space<hbm>> -> memref<512xi32, #tpu.memory_space<hbm>>
      %dma_wait3A_388 = tpu.memref_slice %arg2[%mul3A_2] : memref<16384xi32, #tpu.memory_space<hbm>> -> memref<512xi32, #tpu.memory_space<hbm>>
      tpu.wait_dma2 semaphore(%run_scoped3A : memref<!tpu.dma_semaphore, #tpu.memory_space<semaphore_mem>>) src(%dma_wait3A_388 : memref<512xi32, #tpu.memory_space<hbm>>) dst(%arg7 : memref<512xi32, #tpu.memory_space<vmem>>)
      tpu.yield
    }) : () -> ()
    "tpu.region"() ({
      %run_scoped3A = tpu.sem_alloc : memref<!tpu.dma_semaphore, #tpu.memory_space<semaphore_mem>>
      %dma_start3A_385 = tpu.memref_slice %arg3[%mul3A_2] : memref<16384xi32, #tpu.memory_space<hbm>> -> memref<512xi32, #tpu.memory_space<hbm>>
      %dma_start3A_386 = tpu.memref_slice %arg3[%mul3A_2] : memref<16384xi32, #tpu.memory_space<hbm>> -> memref<512xi32, #tpu.memory_space<hbm>>
      tpu.enqueue_dma source(%dma_start3A_386 : memref<512xi32, #tpu.memory_space<hbm>>) target(%arg8 : memref<512xi32, #tpu.memory_space<vmem>>) target_semaphore(%run_scoped3A : memref<!tpu.dma_semaphore, #tpu.memory_space<semaphore_mem>>)
      %dma_wait3A_387 = tpu.memref_slice %arg3[%mul3A_2] : memref<16384xi32, #tpu.memory_space<hbm>> -> memref<512xi32, #tpu.memory_space<hbm>>
      %dma_wait3A_388 = tpu.memref_slice %arg3[%mul3A_2] : memref<16384xi32, #tpu.memory_space<hbm>> -> memref<512xi32, #tpu.memory_space<hbm>>
      tpu.wait_dma2 semaphore(%run_scoped3A : memref<!tpu.dma_semaphore, #tpu.memory_space<semaphore_mem>>) src(%dma_wait3A_388 : memref<512xi32, #tpu.memory_space<hbm>>) dst(%arg8 : memref<512xi32, #tpu.memory_space<vmem>>)
      tpu.yield
    }) : () -> ()
    %dma_start3A = arith.constant 0 : i32
    %dma_start3A_3 = arith.constant 0 : i32
    %dma_start3A_4 = arith.constant 0 : i32
    %dma_start3A_5 = tpu.memref_slice %arg9[%dma_start3A, %dma_start3A_3, %dma_start3A_4] : memref<4x128x128xf32, #tpu.memory_space<vmem>> -> memref<1x128x128xf32, #tpu.memory_space<vmem>>
    %dma_start3A_6 = tpu.memref_squeeze %dma_start3A_5 : memref<1x128x128xf32, #tpu.memory_space<vmem>> -> memref<128x128xf32, #tpu.memory_space<vmem>>
    %dma_start3A_7 = arith.constant 0 : i32
    %dma_start3A_8 = tpu.memref_slice %arg7[%dma_start3A_7] : memref<512xi32, #tpu.memory_space<vmem>> -> memref<128xi32, #tpu.memory_space<vmem>>
    %dma_start3A_9 = arith.constant 0 : i32
    %dma_start3A_10 = arith.constant 0 : i32
    %dma_start3A_11 = tpu.memref_slice %arg4[%dma_start3A_9, %dma_start3A_10] : memref<100000x128xf32, #tpu.memory_space<hbm>> -> memref<100000x128xf32, #tpu.memory_space<hbm>>
    tpu.enqueue_indirect_dma source(%dma_start3A_11 : memref<100000x128xf32, #tpu.memory_space<hbm>>) target(%dma_start3A_6 : memref<128x128xf32, #tpu.memory_space<vmem>>) offsets(%dma_start3A_8 : memref<128xi32, #tpu.memory_space<vmem>>) semaphore(%arg10 : memref<!tpu.dma_semaphore, #tpu.memory_space<semaphore_mem>>)
    %dma_start3A_12 = arith.constant 1 : i32
    %dma_start3A_13 = arith.constant 0 : i32
    %dma_start3A_14 = arith.constant 0 : i32
    %dma_start3A_15 = tpu.memref_slice %arg9[%dma_start3A_12, %dma_start3A_13, %dma_start3A_14] : memref<4x128x128xf32, #tpu.memory_space<vmem>> -> memref<1x128x128xf32, #tpu.memory_space<vmem>>
    %dma_start3A_16 = tpu.memref_squeeze %dma_start3A_15 : memref<1x128x128xf32, #tpu.memory_space<vmem>> -> memref<128x128xf32, #tpu.memory_space<vmem>>
    %dma_start3A_17 = arith.constant 128 : i32
    %dma_start3A_18 = tpu.memref_slice %arg7[%dma_start3A_17] : memref<512xi32, #tpu.memory_space<vmem>> -> memref<128xi32, #tpu.memory_space<vmem>>
    %dma_start3A_19 = arith.constant 0 : i32
    %dma_start3A_20 = arith.constant 0 : i32
    %dma_start3A_21 = tpu.memref_slice %arg4[%dma_start3A_19, %dma_start3A_20] : memref<100000x128xf32, #tpu.memory_space<hbm>> -> memref<100000x128xf32, #tpu.memory_space<hbm>>
    tpu.enqueue_indirect_dma source(%dma_start3A_21 : memref<100000x128xf32, #tpu.memory_space<hbm>>) target(%dma_start3A_16 : memref<128x128xf32, #tpu.memory_space<vmem>>) offsets(%dma_start3A_18 : memref<128xi32, #tpu.memory_space<vmem>>) semaphore(%arg11 : memref<!tpu.dma_semaphore, #tpu.memory_space<semaphore_mem>>)
    %dma_start3A_22 = arith.constant 2 : i32
    %dma_start3A_23 = arith.constant 0 : i32
    %dma_start3A_24 = arith.constant 0 : i32
    %dma_start3A_25 = tpu.memref_slice %arg9[%dma_start3A_22, %dma_start3A_23, %dma_start3A_24] : memref<4x128x128xf32, #tpu.memory_space<vmem>> -> memref<1x128x128xf32, #tpu.memory_space<vmem>>
    %dma_start3A_26 = tpu.memref_squeeze %dma_start3A_25 : memref<1x128x128xf32, #tpu.memory_space<vmem>> -> memref<128x128xf32, #tpu.memory_space<vmem>>
    %dma_start3A_27 = arith.constant 256 : i32
    %dma_start3A_28 = tpu.memref_slice %arg7[%dma_start3A_27] : memref<512xi32, #tpu.memory_space<vmem>> -> memref<128xi32, #tpu.memory_space<vmem>>
    %dma_start3A_29 = arith.constant 0 : i32
    %dma_start3A_30 = arith.constant 0 : i32
    %dma_start3A_31 = tpu.memref_slice %arg4[%dma_start3A_29, %dma_start3A_30] : memref<100000x128xf32, #tpu.memory_space<hbm>> -> memref<100000x128xf32, #tpu.memory_space<hbm>>
    tpu.enqueue_indirect_dma source(%dma_start3A_31 : memref<100000x128xf32, #tpu.memory_space<hbm>>) target(%dma_start3A_26 : memref<128x128xf32, #tpu.memory_space<vmem>>) offsets(%dma_start3A_28 : memref<128xi32, #tpu.memory_space<vmem>>) semaphore(%arg12 : memref<!tpu.dma_semaphore, #tpu.memory_space<semaphore_mem>>)
    %dma_start3A_32 = arith.constant 3 : i32
    %dma_start3A_33 = arith.constant 0 : i32
    %dma_start3A_34 = arith.constant 0 : i32
    %dma_start3A_35 = tpu.memref_slice %arg9[%dma_start3A_32, %dma_start3A_33, %dma_start3A_34] : memref<4x128x128xf32, #tpu.memory_space<vmem>> -> memref<1x128x128xf32, #tpu.memory_space<vmem>>
    %dma_start3A_36 = tpu.memref_squeeze %dma_start3A_35 : memref<1x128x128xf32, #tpu.memory_space<vmem>> -> memref<128x128xf32, #tpu.memory_space<vmem>>
    %dma_start3A_37 = arith.constant 384 : i32
    %dma_start3A_38 = tpu.memref_slice %arg7[%dma_start3A_37] : memref<512xi32, #tpu.memory_space<vmem>> -> memref<128xi32, #tpu.memory_space<vmem>>
    %dma_start3A_39 = arith.constant 0 : i32
    %dma_start3A_40 = arith.constant 0 : i32
    %dma_start3A_41 = tpu.memref_slice %arg4[%dma_start3A_39, %dma_start3A_40] : memref<100000x128xf32, #tpu.memory_space<hbm>> -> memref<100000x128xf32, #tpu.memory_space<hbm>>
    tpu.enqueue_indirect_dma source(%dma_start3A_41 : memref<100000x128xf32, #tpu.memory_space<hbm>>) target(%dma_start3A_36 : memref<128x128xf32, #tpu.memory_space<vmem>>) offsets(%dma_start3A_38 : memref<128xi32, #tpu.memory_space<vmem>>) semaphore(%arg13 : memref<!tpu.dma_semaphore, #tpu.memory_space<semaphore_mem>>)
    %dma_wait3A = arith.constant 0 : i32
    %dma_wait3A_42 = arith.constant 0 : i32
    %dma_wait3A_43 = arith.constant 0 : i32
    %dma_wait3A_44 = tpu.memref_slice %arg9[%dma_wait3A, %dma_wait3A_42, %dma_wait3A_43] : memref<4x128x128xf32, #tpu.memory_space<vmem>> -> memref<1x128x128xf32, #tpu.memory_space<vmem>>
    %dma_wait3A_45 = tpu.memref_squeeze %dma_wait3A_44 : memref<1x128x128xf32, #tpu.memory_space<vmem>> -> memref<128x128xf32, #tpu.memory_space<vmem>>
    %dma_wait3A_46 = arith.constant 0 : i32
    %dma_wait3A_47 = tpu.memref_slice %arg7[%dma_wait3A_46] : memref<512xi32, #tpu.memory_space<vmem>> -> memref<128xi32, #tpu.memory_space<vmem>>
    %dma_wait3A_48 = arith.constant 0 : i32
    %dma_wait3A_49 = arith.constant 0 : i32
    %dma_wait3A_50 = tpu.memref_slice %arg4[%dma_wait3A_48, %dma_wait3A_49] : memref<100000x128xf32, #tpu.memory_space<hbm>> -> memref<100000x128xf32, #tpu.memory_space<hbm>>
    tpu.wait_indirect_dma semaphore(%arg10 : memref<!tpu.dma_semaphore, #tpu.memory_space<semaphore_mem>>) src(%dma_wait3A_50 : memref<100000x128xf32, #tpu.memory_space<hbm>>) dst(%dma_wait3A_45 : memref<128x128xf32, #tpu.memory_space<vmem>>)
    %add3A_51 = arith.constant 0 : i32
    %add3A_52 = arith.addi %mul3A_2, %add3A_51 : i32
    %dma_start3A_53 = arith.constant 0 : i32
    %dma_start3A_54 = arith.constant 0 : i32
    %dma_start3A_55 = arith.constant 0 : i32
    %dma_start3A_56 = tpu.memref_slice %arg9[%dma_start3A_53, %dma_start3A_54, %dma_start3A_55] : memref<4x128x128xf32, #tpu.memory_space<vmem>> -> memref<1x128x128xf32, #tpu.memory_space<vmem>>
    %dma_start3A_57 = tpu.memref_squeeze %dma_start3A_56 : memref<1x128x128xf32, #tpu.memory_space<vmem>> -> memref<128x128xf32, #tpu.memory_space<vmem>>
    %dma_start3A_58 = arith.constant 0 : i32
    %dma_start3A_59 = tpu.memref_slice %arg6[%add3A_52, %dma_start3A_58] : memref<16384x256xf32, #tpu.memory_space<hbm>> -> memref<128x128xf32, #tpu.memory_space<hbm>>
    %dma_start3A_60 = arith.constant 0 : i32
    %dma_start3A_61 = tpu.memref_slice %arg6[%add3A_52, %dma_start3A_60] : memref<16384x256xf32, #tpu.memory_space<hbm>> -> memref<128x128xf32, #tpu.memory_space<hbm>>
    %dma_start3A_62 = arith.constant 0 : i32
    %dma_start3A_63 = arith.constant 0 : i32
    %dma_start3A_64 = tpu.memref_slice %arg9[%dma_start3A_53, %dma_start3A_62, %dma_start3A_63] : memref<4x128x128xf32, #tpu.memory_space<vmem>> -> memref<1x128x128xf32, #tpu.memory_space<vmem>>
    %dma_start3A_65 = tpu.memref_squeeze %dma_start3A_64 : memref<1x128x128xf32, #tpu.memory_space<vmem>> -> memref<128x128xf32, #tpu.memory_space<vmem>>
    tpu.enqueue_dma source(%dma_start3A_65 : memref<128x128xf32, #tpu.memory_space<vmem>>) target(%dma_start3A_61 : memref<128x128xf32, #tpu.memory_space<hbm>>) target_semaphore(%arg14 : memref<!tpu.dma_semaphore, #tpu.memory_space<semaphore_mem>>)
    %dma_wait3A_66 = arith.constant 0 : i32
    %dma_wait3A_67 = arith.constant 0 : i32
    %dma_wait3A_68 = arith.constant 0 : i32
    %dma_wait3A_69 = tpu.memref_slice %arg9[%dma_wait3A_66, %dma_wait3A_67, %dma_wait3A_68] : memref<4x128x128xf32, #tpu.memory_space<vmem>> -> memref<1x128x128xf32, #tpu.memory_space<vmem>>
    %dma_wait3A_70 = tpu.memref_squeeze %dma_wait3A_69 : memref<1x128x128xf32, #tpu.memory_space<vmem>> -> memref<128x128xf32, #tpu.memory_space<vmem>>
    %dma_wait3A_71 = arith.constant 0 : i32
    %dma_wait3A_72 = tpu.memref_slice %arg6[%add3A_52, %dma_wait3A_71] : memref<16384x256xf32, #tpu.memory_space<hbm>> -> memref<128x128xf32, #tpu.memory_space<hbm>>
    %dma_wait3A_73 = arith.constant 0 : i32
    %dma_wait3A_74 = tpu.memref_slice %arg6[%add3A_52, %dma_wait3A_73] : memref<16384x256xf32, #tpu.memory_space<hbm>> -> memref<128x128xf32, #tpu.memory_space<hbm>>
    %dma_wait3A_75 = arith.constant 0 : i32
    %dma_wait3A_76 = arith.constant 0 : i32
    %dma_wait3A_77 = tpu.memref_slice %arg9[%dma_wait3A_66, %dma_wait3A_75, %dma_wait3A_76] : memref<4x128x128xf32, #tpu.memory_space<vmem>> -> memref<1x128x128xf32, #tpu.memory_space<vmem>>
    %dma_wait3A_78 = tpu.memref_squeeze %dma_wait3A_77 : memref<1x128x128xf32, #tpu.memory_space<vmem>> -> memref<128x128xf32, #tpu.memory_space<vmem>>
    tpu.wait_dma2 semaphore(%arg14 : memref<!tpu.dma_semaphore, #tpu.memory_space<semaphore_mem>>) src(%dma_wait3A_78 : memref<128x128xf32, #tpu.memory_space<vmem>>) dst(%dma_wait3A_74 : memref<128x128xf32, #tpu.memory_space<hbm>>)
    %dma_start3A_79 = arith.constant 0 : i32
    %dma_start3A_80 = arith.constant 0 : i32
    %dma_start3A_81 = arith.constant 0 : i32
    %dma_start3A_82 = tpu.memref_slice %arg9[%dma_start3A_79, %dma_start3A_80, %dma_start3A_81] : memref<4x128x128xf32, #tpu.memory_space<vmem>> -> memref<1x128x128xf32, #tpu.memory_space<vmem>>
    %dma_start3A_83 = tpu.memref_squeeze %dma_start3A_82 : memref<1x128x128xf32, #tpu.memory_space<vmem>> -> memref<128x128xf32, #tpu.memory_space<vmem>>
    %dma_start3A_84 = arith.constant 0 : i32
    %dma_start3A_85 = tpu.memref_slice %arg8[%dma_start3A_84] : memref<512xi32, #tpu.memory_space<vmem>> -> memref<128xi32, #tpu.memory_space<vmem>>
    %dma_start3A_86 = arith.constant 0 : i32
    %dma_start3A_87 = arith.constant 0 : i32
    %dma_start3A_88 = tpu.memref_slice %arg5[%dma_start3A_86, %dma_start3A_87] : memref<100000x128xf32, #tpu.memory_space<hbm>> -> memref<100000x128xf32, #tpu.memory_space<hbm>>
    tpu.enqueue_indirect_dma source(%dma_start3A_88 : memref<100000x128xf32, #tpu.memory_space<hbm>>) target(%dma_start3A_83 : memref<128x128xf32, #tpu.memory_space<vmem>>) offsets(%dma_start3A_85 : memref<128xi32, #tpu.memory_space<vmem>>) semaphore(%arg10 : memref<!tpu.dma_semaphore, #tpu.memory_space<semaphore_mem>>)
    %dma_wait3A_89 = arith.constant 1 : i32
    %dma_wait3A_90 = arith.constant 0 : i32
    %dma_wait3A_91 = arith.constant 0 : i32
    %dma_wait3A_92 = tpu.memref_slice %arg9[%dma_wait3A_89, %dma_wait3A_90, %dma_wait3A_91] : memref<4x128x128xf32, #tpu.memory_space<vmem>> -> memref<1x128x128xf32, #tpu.memory_space<vmem>>
    %dma_wait3A_93 = tpu.memref_squeeze %dma_wait3A_92 : memref<1x128x128xf32, #tpu.memory_space<vmem>> -> memref<128x128xf32, #tpu.memory_space<vmem>>
    %dma_wait3A_94 = arith.constant 128 : i32
    %dma_wait3A_95 = tpu.memref_slice %arg7[%dma_wait3A_94] : memref<512xi32, #tpu.memory_space<vmem>> -> memref<128xi32, #tpu.memory_space<vmem>>
    %dma_wait3A_96 = arith.constant 0 : i32
    %dma_wait3A_97 = arith.constant 0 : i32
    %dma_wait3A_98 = tpu.memref_slice %arg4[%dma_wait3A_96, %dma_wait3A_97] : memref<100000x128xf32, #tpu.memory_space<hbm>> -> memref<100000x128xf32, #tpu.memory_space<hbm>>
    tpu.wait_indirect_dma semaphore(%arg11 : memref<!tpu.dma_semaphore, #tpu.memory_space<semaphore_mem>>) src(%dma_wait3A_98 : memref<100000x128xf32, #tpu.memory_space<hbm>>) dst(%dma_wait3A_93 : memref<128x128xf32, #tpu.memory_space<vmem>>)
    %add3A_99 = arith.constant 128 : i32
    %add3A_100 = arith.addi %mul3A_2, %add3A_99 : i32
    %dma_start3A_101 = arith.constant 1 : i32
    %dma_start3A_102 = arith.constant 0 : i32
    %dma_start3A_103 = arith.constant 0 : i32
    %dma_start3A_104 = tpu.memref_slice %arg9[%dma_start3A_101, %dma_start3A_102, %dma_start3A_103] : memref<4x128x128xf32, #tpu.memory_space<vmem>> -> memref<1x128x128xf32, #tpu.memory_space<vmem>>
    %dma_start3A_105 = tpu.memref_squeeze %dma_start3A_104 : memref<1x128x128xf32, #tpu.memory_space<vmem>> -> memref<128x128xf32, #tpu.memory_space<vmem>>
    %dma_start3A_106 = arith.constant 0 : i32
    %dma_start3A_107 = tpu.memref_slice %arg6[%add3A_100, %dma_start3A_106] : memref<16384x256xf32, #tpu.memory_space<hbm>> -> memref<128x128xf32, #tpu.memory_space<hbm>>
    %dma_start3A_108 = arith.constant 0 : i32
    %dma_start3A_109 = tpu.memref_slice %arg6[%add3A_100, %dma_start3A_108] : memref<16384x256xf32, #tpu.memory_space<hbm>> -> memref<128x128xf32, #tpu.memory_space<hbm>>
    %dma_start3A_110 = arith.constant 0 : i32
    %dma_start3A_111 = arith.constant 0 : i32
    %dma_start3A_112 = tpu.memref_slice %arg9[%dma_start3A_101, %dma_start3A_110, %dma_start3A_111] : memref<4x128x128xf32, #tpu.memory_space<vmem>> -> memref<1x128x128xf32, #tpu.memory_space<vmem>>
    %dma_start3A_113 = tpu.memref_squeeze %dma_start3A_112 : memref<1x128x128xf32, #tpu.memory_space<vmem>> -> memref<128x128xf32, #tpu.memory_space<vmem>>
    tpu.enqueue_dma source(%dma_start3A_113 : memref<128x128xf32, #tpu.memory_space<vmem>>) target(%dma_start3A_109 : memref<128x128xf32, #tpu.memory_space<hbm>>) target_semaphore(%arg15 : memref<!tpu.dma_semaphore, #tpu.memory_space<semaphore_mem>>)
    %dma_wait3A_114 = arith.constant 1 : i32
    %dma_wait3A_115 = arith.constant 0 : i32
    %dma_wait3A_116 = arith.constant 0 : i32
    %dma_wait3A_117 = tpu.memref_slice %arg9[%dma_wait3A_114, %dma_wait3A_115, %dma_wait3A_116] : memref<4x128x128xf32, #tpu.memory_space<vmem>> -> memref<1x128x128xf32, #tpu.memory_space<vmem>>
    %dma_wait3A_118 = tpu.memref_squeeze %dma_wait3A_117 : memref<1x128x128xf32, #tpu.memory_space<vmem>> -> memref<128x128xf32, #tpu.memory_space<vmem>>
    %dma_wait3A_119 = arith.constant 0 : i32
    %dma_wait3A_120 = tpu.memref_slice %arg6[%add3A_100, %dma_wait3A_119] : memref<16384x256xf32, #tpu.memory_space<hbm>> -> memref<128x128xf32, #tpu.memory_space<hbm>>
    %dma_wait3A_121 = arith.constant 0 : i32
    %dma_wait3A_122 = tpu.memref_slice %arg6[%add3A_100, %dma_wait3A_121] : memref<16384x256xf32, #tpu.memory_space<hbm>> -> memref<128x128xf32, #tpu.memory_space<hbm>>
    %dma_wait3A_123 = arith.constant 0 : i32
    %dma_wait3A_124 = arith.constant 0 : i32
    %dma_wait3A_125 = tpu.memref_slice %arg9[%dma_wait3A_114, %dma_wait3A_123, %dma_wait3A_124] : memref<4x128x128xf32, #tpu.memory_space<vmem>> -> memref<1x128x128xf32, #tpu.memory_space<vmem>>
    %dma_wait3A_126 = tpu.memref_squeeze %dma_wait3A_125 : memref<1x128x128xf32, #tpu.memory_space<vmem>> -> memref<128x128xf32, #tpu.memory_space<vmem>>
    tpu.wait_dma2 semaphore(%arg15 : memref<!tpu.dma_semaphore, #tpu.memory_space<semaphore_mem>>) src(%dma_wait3A_126 : memref<128x128xf32, #tpu.memory_space<vmem>>) dst(%dma_wait3A_122 : memref<128x128xf32, #tpu.memory_space<hbm>>)
    %dma_start3A_127 = arith.constant 1 : i32
    %dma_start3A_128 = arith.constant 0 : i32
    %dma_start3A_129 = arith.constant 0 : i32
    %dma_start3A_130 = tpu.memref_slice %arg9[%dma_start3A_127, %dma_start3A_128, %dma_start3A_129] : memref<4x128x128xf32, #tpu.memory_space<vmem>> -> memref<1x128x128xf32, #tpu.memory_space<vmem>>
    %dma_start3A_131 = tpu.memref_squeeze %dma_start3A_130 : memref<1x128x128xf32, #tpu.memory_space<vmem>> -> memref<128x128xf32, #tpu.memory_space<vmem>>
    %dma_start3A_132 = arith.constant 128 : i32
    %dma_start3A_133 = tpu.memref_slice %arg8[%dma_start3A_132] : memref<512xi32, #tpu.memory_space<vmem>> -> memref<128xi32, #tpu.memory_space<vmem>>
    %dma_start3A_134 = arith.constant 0 : i32
    %dma_start3A_135 = arith.constant 0 : i32
    %dma_start3A_136 = tpu.memref_slice %arg5[%dma_start3A_134, %dma_start3A_135] : memref<100000x128xf32, #tpu.memory_space<hbm>> -> memref<100000x128xf32, #tpu.memory_space<hbm>>
    tpu.enqueue_indirect_dma source(%dma_start3A_136 : memref<100000x128xf32, #tpu.memory_space<hbm>>) target(%dma_start3A_131 : memref<128x128xf32, #tpu.memory_space<vmem>>) offsets(%dma_start3A_133 : memref<128xi32, #tpu.memory_space<vmem>>) semaphore(%arg11 : memref<!tpu.dma_semaphore, #tpu.memory_space<semaphore_mem>>)
    %dma_wait3A_137 = arith.constant 2 : i32
    %dma_wait3A_138 = arith.constant 0 : i32
    %dma_wait3A_139 = arith.constant 0 : i32
    %dma_wait3A_140 = tpu.memref_slice %arg9[%dma_wait3A_137, %dma_wait3A_138, %dma_wait3A_139] : memref<4x128x128xf32, #tpu.memory_space<vmem>> -> memref<1x128x128xf32, #tpu.memory_space<vmem>>
    %dma_wait3A_141 = tpu.memref_squeeze %dma_wait3A_140 : memref<1x128x128xf32, #tpu.memory_space<vmem>> -> memref<128x128xf32, #tpu.memory_space<vmem>>
    %dma_wait3A_142 = arith.constant 256 : i32
    %dma_wait3A_143 = tpu.memref_slice %arg7[%dma_wait3A_142] : memref<512xi32, #tpu.memory_space<vmem>> -> memref<128xi32, #tpu.memory_space<vmem>>
    %dma_wait3A_144 = arith.constant 0 : i32
    %dma_wait3A_145 = arith.constant 0 : i32
    %dma_wait3A_146 = tpu.memref_slice %arg4[%dma_wait3A_144, %dma_wait3A_145] : memref<100000x128xf32, #tpu.memory_space<hbm>> -> memref<100000x128xf32, #tpu.memory_space<hbm>>
    tpu.wait_indirect_dma semaphore(%arg12 : memref<!tpu.dma_semaphore, #tpu.memory_space<semaphore_mem>>) src(%dma_wait3A_146 : memref<100000x128xf32, #tpu.memory_space<hbm>>) dst(%dma_wait3A_141 : memref<128x128xf32, #tpu.memory_space<vmem>>)
    %add3A_147 = arith.constant 256 : i32
    %add3A_148 = arith.addi %mul3A_2, %add3A_147 : i32
    %dma_start3A_149 = arith.constant 2 : i32
    %dma_start3A_150 = arith.constant 0 : i32
    %dma_start3A_151 = arith.constant 0 : i32
    %dma_start3A_152 = tpu.memref_slice %arg9[%dma_start3A_149, %dma_start3A_150, %dma_start3A_151] : memref<4x128x128xf32, #tpu.memory_space<vmem>> -> memref<1x128x128xf32, #tpu.memory_space<vmem>>
    %dma_start3A_153 = tpu.memref_squeeze %dma_start3A_152 : memref<1x128x128xf32, #tpu.memory_space<vmem>> -> memref<128x128xf32, #tpu.memory_space<vmem>>
    %dma_start3A_154 = arith.constant 0 : i32
    %dma_start3A_155 = tpu.memref_slice %arg6[%add3A_148, %dma_start3A_154] : memref<16384x256xf32, #tpu.memory_space<hbm>> -> memref<128x128xf32, #tpu.memory_space<hbm>>
    %dma_start3A_156 = arith.constant 0 : i32
    %dma_start3A_157 = tpu.memref_slice %arg6[%add3A_148, %dma_start3A_156] : memref<16384x256xf32, #tpu.memory_space<hbm>> -> memref<128x128xf32, #tpu.memory_space<hbm>>
    %dma_start3A_158 = arith.constant 0 : i32
    %dma_start3A_159 = arith.constant 0 : i32
    %dma_start3A_160 = tpu.memref_slice %arg9[%dma_start3A_149, %dma_start3A_158, %dma_start3A_159] : memref<4x128x128xf32, #tpu.memory_space<vmem>> -> memref<1x128x128xf32, #tpu.memory_space<vmem>>
    %dma_start3A_161 = tpu.memref_squeeze %dma_start3A_160 : memref<1x128x128xf32, #tpu.memory_space<vmem>> -> memref<128x128xf32, #tpu.memory_space<vmem>>
    tpu.enqueue_dma source(%dma_start3A_161 : memref<128x128xf32, #tpu.memory_space<vmem>>) target(%dma_start3A_157 : memref<128x128xf32, #tpu.memory_space<hbm>>) target_semaphore(%arg16 : memref<!tpu.dma_semaphore, #tpu.memory_space<semaphore_mem>>)
    %dma_wait3A_162 = arith.constant 2 : i32
    %dma_wait3A_163 = arith.constant 0 : i32
    %dma_wait3A_164 = arith.constant 0 : i32
    %dma_wait3A_165 = tpu.memref_slice %arg9[%dma_wait3A_162, %dma_wait3A_163, %dma_wait3A_164] : memref<4x128x128xf32, #tpu.memory_space<vmem>> -> memref<1x128x128xf32, #tpu.memory_space<vmem>>
    %dma_wait3A_166 = tpu.memref_squeeze %dma_wait3A_165 : memref<1x128x128xf32, #tpu.memory_space<vmem>> -> memref<128x128xf32, #tpu.memory_space<vmem>>
    %dma_wait3A_167 = arith.constant 0 : i32
    %dma_wait3A_168 = tpu.memref_slice %arg6[%add3A_148, %dma_wait3A_167] : memref<16384x256xf32, #tpu.memory_space<hbm>> -> memref<128x128xf32, #tpu.memory_space<hbm>>
    %dma_wait3A_169 = arith.constant 0 : i32
    %dma_wait3A_170 = tpu.memref_slice %arg6[%add3A_148, %dma_wait3A_169] : memref<16384x256xf32, #tpu.memory_space<hbm>> -> memref<128x128xf32, #tpu.memory_space<hbm>>
    %dma_wait3A_171 = arith.constant 0 : i32
    %dma_wait3A_172 = arith.constant 0 : i32
    %dma_wait3A_173 = tpu.memref_slice %arg9[%dma_wait3A_162, %dma_wait3A_171, %dma_wait3A_172] : memref<4x128x128xf32, #tpu.memory_space<vmem>> -> memref<1x128x128xf32, #tpu.memory_space<vmem>>
    %dma_wait3A_174 = tpu.memref_squeeze %dma_wait3A_173 : memref<1x128x128xf32, #tpu.memory_space<vmem>> -> memref<128x128xf32, #tpu.memory_space<vmem>>
    tpu.wait_dma2 semaphore(%arg16 : memref<!tpu.dma_semaphore, #tpu.memory_space<semaphore_mem>>) src(%dma_wait3A_174 : memref<128x128xf32, #tpu.memory_space<vmem>>) dst(%dma_wait3A_170 : memref<128x128xf32, #tpu.memory_space<hbm>>)
    %dma_start3A_175 = arith.constant 2 : i32
    %dma_start3A_176 = arith.constant 0 : i32
    %dma_start3A_177 = arith.constant 0 : i32
    %dma_start3A_178 = tpu.memref_slice %arg9[%dma_start3A_175, %dma_start3A_176, %dma_start3A_177] : memref<4x128x128xf32, #tpu.memory_space<vmem>> -> memref<1x128x128xf32, #tpu.memory_space<vmem>>
    %dma_start3A_179 = tpu.memref_squeeze %dma_start3A_178 : memref<1x128x128xf32, #tpu.memory_space<vmem>> -> memref<128x128xf32, #tpu.memory_space<vmem>>
    %dma_start3A_180 = arith.constant 256 : i32
    %dma_start3A_181 = tpu.memref_slice %arg8[%dma_start3A_180] : memref<512xi32, #tpu.memory_space<vmem>> -> memref<128xi32, #tpu.memory_space<vmem>>
    %dma_start3A_182 = arith.constant 0 : i32
    %dma_start3A_183 = arith.constant 0 : i32
    %dma_start3A_184 = tpu.memref_slice %arg5[%dma_start3A_182, %dma_start3A_183] : memref<100000x128xf32, #tpu.memory_space<hbm>> -> memref<100000x128xf32, #tpu.memory_space<hbm>>
    tpu.enqueue_indirect_dma source(%dma_start3A_184 : memref<100000x128xf32, #tpu.memory_space<hbm>>) target(%dma_start3A_179 : memref<128x128xf32, #tpu.memory_space<vmem>>) offsets(%dma_start3A_181 : memref<128xi32, #tpu.memory_space<vmem>>) semaphore(%arg12 : memref<!tpu.dma_semaphore, #tpu.memory_space<semaphore_mem>>)
    %dma_wait3A_185 = arith.constant 3 : i32
    %dma_wait3A_186 = arith.constant 0 : i32
    %dma_wait3A_187 = arith.constant 0 : i32
    %dma_wait3A_188 = tpu.memref_slice %arg9[%dma_wait3A_185, %dma_wait3A_186, %dma_wait3A_187] : memref<4x128x128xf32, #tpu.memory_space<vmem>> -> memref<1x128x128xf32, #tpu.memory_space<vmem>>
    %dma_wait3A_189 = tpu.memref_squeeze %dma_wait3A_188 : memref<1x128x128xf32, #tpu.memory_space<vmem>> -> memref<128x128xf32, #tpu.memory_space<vmem>>
    %dma_wait3A_190 = arith.constant 384 : i32
    %dma_wait3A_191 = tpu.memref_slice %arg7[%dma_wait3A_190] : memref<512xi32, #tpu.memory_space<vmem>> -> memref<128xi32, #tpu.memory_space<vmem>>
    %dma_wait3A_192 = arith.constant 0 : i32
    %dma_wait3A_193 = arith.constant 0 : i32
    %dma_wait3A_194 = tpu.memref_slice %arg4[%dma_wait3A_192, %dma_wait3A_193] : memref<100000x128xf32, #tpu.memory_space<hbm>> -> memref<100000x128xf32, #tpu.memory_space<hbm>>
    tpu.wait_indirect_dma semaphore(%arg13 : memref<!tpu.dma_semaphore, #tpu.memory_space<semaphore_mem>>) src(%dma_wait3A_194 : memref<100000x128xf32, #tpu.memory_space<hbm>>) dst(%dma_wait3A_189 : memref<128x128xf32, #tpu.memory_space<vmem>>)
    %add3A_195 = arith.constant 384 : i32
    %add3A_196 = arith.addi %mul3A_2, %add3A_195 : i32
    %dma_start3A_197 = arith.constant 3 : i32
    %dma_start3A_198 = arith.constant 0 : i32
    %dma_start3A_199 = arith.constant 0 : i32
    %dma_start3A_200 = tpu.memref_slice %arg9[%dma_start3A_197, %dma_start3A_198, %dma_start3A_199] : memref<4x128x128xf32, #tpu.memory_space<vmem>> -> memref<1x128x128xf32, #tpu.memory_space<vmem>>
    %dma_start3A_201 = tpu.memref_squeeze %dma_start3A_200 : memref<1x128x128xf32, #tpu.memory_space<vmem>> -> memref<128x128xf32, #tpu.memory_space<vmem>>
    %dma_start3A_202 = arith.constant 0 : i32
    %dma_start3A_203 = tpu.memref_slice %arg6[%add3A_196, %dma_start3A_202] : memref<16384x256xf32, #tpu.memory_space<hbm>> -> memref<128x128xf32, #tpu.memory_space<hbm>>
    %dma_start3A_204 = arith.constant 0 : i32
    %dma_start3A_205 = tpu.memref_slice %arg6[%add3A_196, %dma_start3A_204] : memref<16384x256xf32, #tpu.memory_space<hbm>> -> memref<128x128xf32, #tpu.memory_space<hbm>>
    %dma_start3A_206 = arith.constant 0 : i32
    %dma_start3A_207 = arith.constant 0 : i32
    %dma_start3A_208 = tpu.memref_slice %arg9[%dma_start3A_197, %dma_start3A_206, %dma_start3A_207] : memref<4x128x128xf32, #tpu.memory_space<vmem>> -> memref<1x128x128xf32, #tpu.memory_space<vmem>>
    %dma_start3A_209 = tpu.memref_squeeze %dma_start3A_208 : memref<1x128x128xf32, #tpu.memory_space<vmem>> -> memref<128x128xf32, #tpu.memory_space<vmem>>
    tpu.enqueue_dma source(%dma_start3A_209 : memref<128x128xf32, #tpu.memory_space<vmem>>) target(%dma_start3A_205 : memref<128x128xf32, #tpu.memory_space<hbm>>) target_semaphore(%arg17 : memref<!tpu.dma_semaphore, #tpu.memory_space<semaphore_mem>>)
    %dma_wait3A_210 = arith.constant 3 : i32
    %dma_wait3A_211 = arith.constant 0 : i32
    %dma_wait3A_212 = arith.constant 0 : i32
    %dma_wait3A_213 = tpu.memref_slice %arg9[%dma_wait3A_210, %dma_wait3A_211, %dma_wait3A_212] : memref<4x128x128xf32, #tpu.memory_space<vmem>> -> memref<1x128x128xf32, #tpu.memory_space<vmem>>
    %dma_wait3A_214 = tpu.memref_squeeze %dma_wait3A_213 : memref<1x128x128xf32, #tpu.memory_space<vmem>> -> memref<128x128xf32, #tpu.memory_space<vmem>>
    %dma_wait3A_215 = arith.constant 0 : i32
    %dma_wait3A_216 = tpu.memref_slice %arg6[%add3A_196, %dma_wait3A_215] : memref<16384x256xf32, #tpu.memory_space<hbm>> -> memref<128x128xf32, #tpu.memory_space<hbm>>
    %dma_wait3A_217 = arith.constant 0 : i32
    %dma_wait3A_218 = tpu.memref_slice %arg6[%add3A_196, %dma_wait3A_217] : memref<16384x256xf32, #tpu.memory_space<hbm>> -> memref<128x128xf32, #tpu.memory_space<hbm>>
    %dma_wait3A_219 = arith.constant 0 : i32
    %dma_wait3A_220 = arith.constant 0 : i32
    %dma_wait3A_221 = tpu.memref_slice %arg9[%dma_wait3A_210, %dma_wait3A_219, %dma_wait3A_220] : memref<4x128x128xf32, #tpu.memory_space<vmem>> -> memref<1x128x128xf32, #tpu.memory_space<vmem>>
    %dma_wait3A_222 = tpu.memref_squeeze %dma_wait3A_221 : memref<1x128x128xf32, #tpu.memory_space<vmem>> -> memref<128x128xf32, #tpu.memory_space<vmem>>
    tpu.wait_dma2 semaphore(%arg17 : memref<!tpu.dma_semaphore, #tpu.memory_space<semaphore_mem>>) src(%dma_wait3A_222 : memref<128x128xf32, #tpu.memory_space<vmem>>) dst(%dma_wait3A_218 : memref<128x128xf32, #tpu.memory_space<hbm>>)
    %dma_start3A_223 = arith.constant 3 : i32
    %dma_start3A_224 = arith.constant 0 : i32
    %dma_start3A_225 = arith.constant 0 : i32
    %dma_start3A_226 = tpu.memref_slice %arg9[%dma_start3A_223, %dma_start3A_224, %dma_start3A_225] : memref<4x128x128xf32, #tpu.memory_space<vmem>> -> memref<1x128x128xf32, #tpu.memory_space<vmem>>
    %dma_start3A_227 = tpu.memref_squeeze %dma_start3A_226 : memref<1x128x128xf32, #tpu.memory_space<vmem>> -> memref<128x128xf32, #tpu.memory_space<vmem>>
    %dma_start3A_228 = arith.constant 384 : i32
    %dma_start3A_229 = tpu.memref_slice %arg8[%dma_start3A_228] : memref<512xi32, #tpu.memory_space<vmem>> -> memref<128xi32, #tpu.memory_space<vmem>>
    %dma_start3A_230 = arith.constant 0 : i32
    %dma_start3A_231 = arith.constant 0 : i32
    %dma_start3A_232 = tpu.memref_slice %arg5[%dma_start3A_230, %dma_start3A_231] : memref<100000x128xf32, #tpu.memory_space<hbm>> -> memref<100000x128xf32, #tpu.memory_space<hbm>>
    tpu.enqueue_indirect_dma source(%dma_start3A_232 : memref<100000x128xf32, #tpu.memory_space<hbm>>) target(%dma_start3A_227 : memref<128x128xf32, #tpu.memory_space<vmem>>) offsets(%dma_start3A_229 : memref<128xi32, #tpu.memory_space<vmem>>) semaphore(%arg13 : memref<!tpu.dma_semaphore, #tpu.memory_space<semaphore_mem>>)
    %dma_wait3A_233 = arith.constant 0 : i32
    %dma_wait3A_234 = arith.constant 0 : i32
    %dma_wait3A_235 = arith.constant 0 : i32
    %dma_wait3A_236 = tpu.memref_slice %arg9[%dma_wait3A_233, %dma_wait3A_234, %dma_wait3A_235] : memref<4x128x128xf32, #tpu.memory_space<vmem>> -> memref<1x128x128xf32, #tpu.memory_space<vmem>>
    %dma_wait3A_237 = tpu.memref_squeeze %dma_wait3A_236 : memref<1x128x128xf32, #tpu.memory_space<vmem>> -> memref<128x128xf32, #tpu.memory_space<vmem>>
    %dma_wait3A_238 = arith.constant 0 : i32
    %dma_wait3A_239 = tpu.memref_slice %arg8[%dma_wait3A_238] : memref<512xi32, #tpu.memory_space<vmem>> -> memref<128xi32, #tpu.memory_space<vmem>>
    %dma_wait3A_240 = arith.constant 0 : i32
    %dma_wait3A_241 = arith.constant 0 : i32
    %dma_wait3A_242 = tpu.memref_slice %arg5[%dma_wait3A_240, %dma_wait3A_241] : memref<100000x128xf32, #tpu.memory_space<hbm>> -> memref<100000x128xf32, #tpu.memory_space<hbm>>
    tpu.wait_indirect_dma semaphore(%arg10 : memref<!tpu.dma_semaphore, #tpu.memory_space<semaphore_mem>>) src(%dma_wait3A_242 : memref<100000x128xf32, #tpu.memory_space<hbm>>) dst(%dma_wait3A_237 : memref<128x128xf32, #tpu.memory_space<vmem>>)
    %add3A_243 = arith.constant 0 : i32
    %add3A_244 = arith.addi %mul3A_2, %add3A_243 : i32
    %dma_start3A_245 = arith.constant 0 : i32
    %dma_start3A_246 = arith.constant 0 : i32
    %dma_start3A_247 = arith.constant 0 : i32
    %dma_start3A_248 = tpu.memref_slice %arg9[%dma_start3A_245, %dma_start3A_246, %dma_start3A_247] : memref<4x128x128xf32, #tpu.memory_space<vmem>> -> memref<1x128x128xf32, #tpu.memory_space<vmem>>
    %dma_start3A_249 = tpu.memref_squeeze %dma_start3A_248 : memref<1x128x128xf32, #tpu.memory_space<vmem>> -> memref<128x128xf32, #tpu.memory_space<vmem>>
    %dma_start3A_250 = arith.constant 128 : i32
    %dma_start3A_251 = tpu.memref_slice %arg6[%add3A_244, %dma_start3A_250] : memref<16384x256xf32, #tpu.memory_space<hbm>> -> memref<128x128xf32, #tpu.memory_space<hbm>>
    %dma_start3A_252 = arith.constant 128 : i32
    %dma_start3A_253 = tpu.memref_slice %arg6[%add3A_244, %dma_start3A_252] : memref<16384x256xf32, #tpu.memory_space<hbm>> -> memref<128x128xf32, #tpu.memory_space<hbm>>
    %dma_start3A_254 = arith.constant 0 : i32
    %dma_start3A_255 = arith.constant 0 : i32
    %dma_start3A_256 = tpu.memref_slice %arg9[%dma_start3A_245, %dma_start3A_254, %dma_start3A_255] : memref<4x128x128xf32, #tpu.memory_space<vmem>> -> memref<1x128x128xf32, #tpu.memory_space<vmem>>
    %dma_start3A_257 = tpu.memref_squeeze %dma_start3A_256 : memref<1x128x128xf32, #tpu.memory_space<vmem>> -> memref<128x128xf32, #tpu.memory_space<vmem>>
    tpu.enqueue_dma source(%dma_start3A_257 : memref<128x128xf32, #tpu.memory_space<vmem>>) target(%dma_start3A_253 : memref<128x128xf32, #tpu.memory_space<hbm>>) target_semaphore(%arg14 : memref<!tpu.dma_semaphore, #tpu.memory_space<semaphore_mem>>)
    %dma_wait3A_258 = arith.constant 1 : i32
    %dma_wait3A_259 = arith.constant 0 : i32
    %dma_wait3A_260 = arith.constant 0 : i32
    %dma_wait3A_261 = tpu.memref_slice %arg9[%dma_wait3A_258, %dma_wait3A_259, %dma_wait3A_260] : memref<4x128x128xf32, #tpu.memory_space<vmem>> -> memref<1x128x128xf32, #tpu.memory_space<vmem>>
    %dma_wait3A_262 = tpu.memref_squeeze %dma_wait3A_261 : memref<1x128x128xf32, #tpu.memory_space<vmem>> -> memref<128x128xf32, #tpu.memory_space<vmem>>
    %dma_wait3A_263 = arith.constant 128 : i32
    %dma_wait3A_264 = tpu.memref_slice %arg8[%dma_wait3A_263] : memref<512xi32, #tpu.memory_space<vmem>> -> memref<128xi32, #tpu.memory_space<vmem>>
    %dma_wait3A_265 = arith.constant 0 : i32
    %dma_wait3A_266 = arith.constant 0 : i32
    %dma_wait3A_267 = tpu.memref_slice %arg5[%dma_wait3A_265, %dma_wait3A_266] : memref<100000x128xf32, #tpu.memory_space<hbm>> -> memref<100000x128xf32, #tpu.memory_space<hbm>>
    tpu.wait_indirect_dma semaphore(%arg11 : memref<!tpu.dma_semaphore, #tpu.memory_space<semaphore_mem>>) src(%dma_wait3A_267 : memref<100000x128xf32, #tpu.memory_space<hbm>>) dst(%dma_wait3A_262 : memref<128x128xf32, #tpu.memory_space<vmem>>)
    %add3A_268 = arith.constant 128 : i32
    %add3A_269 = arith.addi %mul3A_2, %add3A_268 : i32
    %dma_start3A_270 = arith.constant 1 : i32
    %dma_start3A_271 = arith.constant 0 : i32
    %dma_start3A_272 = arith.constant 0 : i32
    %dma_start3A_273 = tpu.memref_slice %arg9[%dma_start3A_270, %dma_start3A_271, %dma_start3A_272] : memref<4x128x128xf32, #tpu.memory_space<vmem>> -> memref<1x128x128xf32, #tpu.memory_space<vmem>>
    %dma_start3A_274 = tpu.memref_squeeze %dma_start3A_273 : memref<1x128x128xf32, #tpu.memory_space<vmem>> -> memref<128x128xf32, #tpu.memory_space<vmem>>
    %dma_start3A_275 = arith.constant 128 : i32
    %dma_start3A_276 = tpu.memref_slice %arg6[%add3A_269, %dma_start3A_275] : memref<16384x256xf32, #tpu.memory_space<hbm>> -> memref<128x128xf32, #tpu.memory_space<hbm>>
    %dma_start3A_277 = arith.constant 128 : i32
    %dma_start3A_278 = tpu.memref_slice %arg6[%add3A_269, %dma_start3A_277] : memref<16384x256xf32, #tpu.memory_space<hbm>> -> memref<128x128xf32, #tpu.memory_space<hbm>>
    %dma_start3A_279 = arith.constant 0 : i32
    %dma_start3A_280 = arith.constant 0 : i32
    %dma_start3A_281 = tpu.memref_slice %arg9[%dma_start3A_270, %dma_start3A_279, %dma_start3A_280] : memref<4x128x128xf32, #tpu.memory_space<vmem>> -> memref<1x128x128xf32, #tpu.memory_space<vmem>>
    %dma_start3A_282 = tpu.memref_squeeze %dma_start3A_281 : memref<1x128x128xf32, #tpu.memory_space<vmem>> -> memref<128x128xf32, #tpu.memory_space<vmem>>
    tpu.enqueue_dma source(%dma_start3A_282 : memref<128x128xf32, #tpu.memory_space<vmem>>) target(%dma_start3A_278 : memref<128x128xf32, #tpu.memory_space<hbm>>) target_semaphore(%arg15 : memref<!tpu.dma_semaphore, #tpu.memory_space<semaphore_mem>>)
    %dma_wait3A_283 = arith.constant 2 : i32
    %dma_wait3A_284 = arith.constant 0 : i32
    %dma_wait3A_285 = arith.constant 0 : i32
    %dma_wait3A_286 = tpu.memref_slice %arg9[%dma_wait3A_283, %dma_wait3A_284, %dma_wait3A_285] : memref<4x128x128xf32, #tpu.memory_space<vmem>> -> memref<1x128x128xf32, #tpu.memory_space<vmem>>
    %dma_wait3A_287 = tpu.memref_squeeze %dma_wait3A_286 : memref<1x128x128xf32, #tpu.memory_space<vmem>> -> memref<128x128xf32, #tpu.memory_space<vmem>>
    %dma_wait3A_288 = arith.constant 256 : i32
    %dma_wait3A_289 = tpu.memref_slice %arg8[%dma_wait3A_288] : memref<512xi32, #tpu.memory_space<vmem>> -> memref<128xi32, #tpu.memory_space<vmem>>
    %dma_wait3A_290 = arith.constant 0 : i32
    %dma_wait3A_291 = arith.constant 0 : i32
    %dma_wait3A_292 = tpu.memref_slice %arg5[%dma_wait3A_290, %dma_wait3A_291] : memref<100000x128xf32, #tpu.memory_space<hbm>> -> memref<100000x128xf32, #tpu.memory_space<hbm>>
    tpu.wait_indirect_dma semaphore(%arg12 : memref<!tpu.dma_semaphore, #tpu.memory_space<semaphore_mem>>) src(%dma_wait3A_292 : memref<100000x128xf32, #tpu.memory_space<hbm>>) dst(%dma_wait3A_287 : memref<128x128xf32, #tpu.memory_space<vmem>>)
    %add3A_293 = arith.constant 256 : i32
    %add3A_294 = arith.addi %mul3A_2, %add3A_293 : i32
    %dma_start3A_295 = arith.constant 2 : i32
    %dma_start3A_296 = arith.constant 0 : i32
    %dma_start3A_297 = arith.constant 0 : i32
    %dma_start3A_298 = tpu.memref_slice %arg9[%dma_start3A_295, %dma_start3A_296, %dma_start3A_297] : memref<4x128x128xf32, #tpu.memory_space<vmem>> -> memref<1x128x128xf32, #tpu.memory_space<vmem>>
    %dma_start3A_299 = tpu.memref_squeeze %dma_start3A_298 : memref<1x128x128xf32, #tpu.memory_space<vmem>> -> memref<128x128xf32, #tpu.memory_space<vmem>>
    %dma_start3A_300 = arith.constant 128 : i32
    %dma_start3A_301 = tpu.memref_slice %arg6[%add3A_294, %dma_start3A_300] : memref<16384x256xf32, #tpu.memory_space<hbm>> -> memref<128x128xf32, #tpu.memory_space<hbm>>
    %dma_start3A_302 = arith.constant 128 : i32
    %dma_start3A_303 = tpu.memref_slice %arg6[%add3A_294, %dma_start3A_302] : memref<16384x256xf32, #tpu.memory_space<hbm>> -> memref<128x128xf32, #tpu.memory_space<hbm>>
    %dma_start3A_304 = arith.constant 0 : i32
    %dma_start3A_305 = arith.constant 0 : i32
    %dma_start3A_306 = tpu.memref_slice %arg9[%dma_start3A_295, %dma_start3A_304, %dma_start3A_305] : memref<4x128x128xf32, #tpu.memory_space<vmem>> -> memref<1x128x128xf32, #tpu.memory_space<vmem>>
    %dma_start3A_307 = tpu.memref_squeeze %dma_start3A_306 : memref<1x128x128xf32, #tpu.memory_space<vmem>> -> memref<128x128xf32, #tpu.memory_space<vmem>>
    tpu.enqueue_dma source(%dma_start3A_307 : memref<128x128xf32, #tpu.memory_space<vmem>>) target(%dma_start3A_303 : memref<128x128xf32, #tpu.memory_space<hbm>>) target_semaphore(%arg16 : memref<!tpu.dma_semaphore, #tpu.memory_space<semaphore_mem>>)
    %dma_wait3A_308 = arith.constant 3 : i32
    %dma_wait3A_309 = arith.constant 0 : i32
    %dma_wait3A_310 = arith.constant 0 : i32
    %dma_wait3A_311 = tpu.memref_slice %arg9[%dma_wait3A_308, %dma_wait3A_309, %dma_wait3A_310] : memref<4x128x128xf32, #tpu.memory_space<vmem>> -> memref<1x128x128xf32, #tpu.memory_space<vmem>>
    %dma_wait3A_312 = tpu.memref_squeeze %dma_wait3A_311 : memref<1x128x128xf32, #tpu.memory_space<vmem>> -> memref<128x128xf32, #tpu.memory_space<vmem>>
    %dma_wait3A_313 = arith.constant 384 : i32
    %dma_wait3A_314 = tpu.memref_slice %arg8[%dma_wait3A_313] : memref<512xi32, #tpu.memory_space<vmem>> -> memref<128xi32, #tpu.memory_space<vmem>>
    %dma_wait3A_315 = arith.constant 0 : i32
    %dma_wait3A_316 = arith.constant 0 : i32
    %dma_wait3A_317 = tpu.memref_slice %arg5[%dma_wait3A_315, %dma_wait3A_316] : memref<100000x128xf32, #tpu.memory_space<hbm>> -> memref<100000x128xf32, #tpu.memory_space<hbm>>
    tpu.wait_indirect_dma semaphore(%arg13 : memref<!tpu.dma_semaphore, #tpu.memory_space<semaphore_mem>>) src(%dma_wait3A_317 : memref<100000x128xf32, #tpu.memory_space<hbm>>) dst(%dma_wait3A_312 : memref<128x128xf32, #tpu.memory_space<vmem>>)
    %add3A_318 = arith.constant 384 : i32
    %add3A_319 = arith.addi %mul3A_2, %add3A_318 : i32
    %dma_start3A_320 = arith.constant 3 : i32
    %dma_start3A_321 = arith.constant 0 : i32
    %dma_start3A_322 = arith.constant 0 : i32
    %dma_start3A_323 = tpu.memref_slice %arg9[%dma_start3A_320, %dma_start3A_321, %dma_start3A_322] : memref<4x128x128xf32, #tpu.memory_space<vmem>> -> memref<1x128x128xf32, #tpu.memory_space<vmem>>
    %dma_start3A_324 = tpu.memref_squeeze %dma_start3A_323 : memref<1x128x128xf32, #tpu.memory_space<vmem>> -> memref<128x128xf32, #tpu.memory_space<vmem>>
    %dma_start3A_325 = arith.constant 128 : i32
    %dma_start3A_326 = tpu.memref_slice %arg6[%add3A_319, %dma_start3A_325] : memref<16384x256xf32, #tpu.memory_space<hbm>> -> memref<128x128xf32, #tpu.memory_space<hbm>>
    %dma_start3A_327 = arith.constant 128 : i32
    %dma_start3A_328 = tpu.memref_slice %arg6[%add3A_319, %dma_start3A_327] : memref<16384x256xf32, #tpu.memory_space<hbm>> -> memref<128x128xf32, #tpu.memory_space<hbm>>
    %dma_start3A_329 = arith.constant 0 : i32
    %dma_start3A_330 = arith.constant 0 : i32
    %dma_start3A_331 = tpu.memref_slice %arg9[%dma_start3A_320, %dma_start3A_329, %dma_start3A_330] : memref<4x128x128xf32, #tpu.memory_space<vmem>> -> memref<1x128x128xf32, #tpu.memory_space<vmem>>
    %dma_start3A_332 = tpu.memref_squeeze %dma_start3A_331 : memref<1x128x128xf32, #tpu.memory_space<vmem>> -> memref<128x128xf32, #tpu.memory_space<vmem>>
    tpu.enqueue_dma source(%dma_start3A_332 : memref<128x128xf32, #tpu.memory_space<vmem>>) target(%dma_start3A_328 : memref<128x128xf32, #tpu.memory_space<hbm>>) target_semaphore(%arg17 : memref<!tpu.dma_semaphore, #tpu.memory_space<semaphore_mem>>)
    %dma_wait3A_333 = arith.constant 0 : i32
    %dma_wait3A_334 = arith.constant 0 : i32
    %dma_wait3A_335 = arith.constant 0 : i32
    %dma_wait3A_336 = tpu.memref_slice %arg9[%dma_wait3A_333, %dma_wait3A_334, %dma_wait3A_335] : memref<4x128x128xf32, #tpu.memory_space<vmem>> -> memref<1x128x128xf32, #tpu.memory_space<vmem>>
    %dma_wait3A_337 = tpu.memref_squeeze %dma_wait3A_336 : memref<1x128x128xf32, #tpu.memory_space<vmem>> -> memref<128x128xf32, #tpu.memory_space<vmem>>
    %dma_wait3A_338 = arith.constant 128 : i32
    %dma_wait3A_339 = tpu.memref_slice %arg6[%add3A_244, %dma_wait3A_338] : memref<16384x256xf32, #tpu.memory_space<hbm>> -> memref<128x128xf32, #tpu.memory_space<hbm>>
    %dma_wait3A_340 = arith.constant 128 : i32
    %dma_wait3A_341 = tpu.memref_slice %arg6[%add3A_244, %dma_wait3A_340] : memref<16384x256xf32, #tpu.memory_space<hbm>> -> memref<128x128xf32, #tpu.memory_space<hbm>>
    %dma_wait3A_342 = arith.constant 0 : i32
    %dma_wait3A_343 = arith.constant 0 : i32
    %dma_wait3A_344 = tpu.memref_slice %arg9[%dma_wait3A_333, %dma_wait3A_342, %dma_wait3A_343] : memref<4x128x128xf32, #tpu.memory_space<vmem>> -> memref<1x128x128xf32, #tpu.memory_space<vmem>>
    %dma_wait3A_345 = tpu.memref_squeeze %dma_wait3A_344 : memref<1x128x128xf32, #tpu.memory_space<vmem>> -> memref<128x128xf32, #tpu.memory_space<vmem>>
    tpu.wait_dma2 semaphore(%arg14 : memref<!tpu.dma_semaphore, #tpu.memory_space<semaphore_mem>>) src(%dma_wait3A_345 : memref<128x128xf32, #tpu.memory_space<vmem>>) dst(%dma_wait3A_341 : memref<128x128xf32, #tpu.memory_space<hbm>>)
    %dma_wait3A_346 = arith.constant 1 : i32
    %dma_wait3A_347 = arith.constant 0 : i32
    %dma_wait3A_348 = arith.constant 0 : i32
    %dma_wait3A_349 = tpu.memref_slice %arg9[%dma_wait3A_346, %dma_wait3A_347, %dma_wait3A_348] : memref<4x128x128xf32, #tpu.memory_space<vmem>> -> memref<1x128x128xf32, #tpu.memory_space<vmem>>
    %dma_wait3A_350 = tpu.memref_squeeze %dma_wait3A_349 : memref<1x128x128xf32, #tpu.memory_space<vmem>> -> memref<128x128xf32, #tpu.memory_space<vmem>>
    %dma_wait3A_351 = arith.constant 128 : i32
    %dma_wait3A_352 = tpu.memref_slice %arg6[%add3A_269, %dma_wait3A_351] : memref<16384x256xf32, #tpu.memory_space<hbm>> -> memref<128x128xf32, #tpu.memory_space<hbm>>
    %dma_wait3A_353 = arith.constant 128 : i32
    %dma_wait3A_354 = tpu.memref_slice %arg6[%add3A_269, %dma_wait3A_353] : memref<16384x256xf32, #tpu.memory_space<hbm>> -> memref<128x128xf32, #tpu.memory_space<hbm>>
    %dma_wait3A_355 = arith.constant 0 : i32
    %dma_wait3A_356 = arith.constant 0 : i32
    %dma_wait3A_357 = tpu.memref_slice %arg9[%dma_wait3A_346, %dma_wait3A_355, %dma_wait3A_356] : memref<4x128x128xf32, #tpu.memory_space<vmem>> -> memref<1x128x128xf32, #tpu.memory_space<vmem>>
    %dma_wait3A_358 = tpu.memref_squeeze %dma_wait3A_357 : memref<1x128x128xf32, #tpu.memory_space<vmem>> -> memref<128x128xf32, #tpu.memory_space<vmem>>
    tpu.wait_dma2 semaphore(%arg15 : memref<!tpu.dma_semaphore, #tpu.memory_space<semaphore_mem>>) src(%dma_wait3A_358 : memref<128x128xf32, #tpu.memory_space<vmem>>) dst(%dma_wait3A_354 : memref<128x128xf32, #tpu.memory_space<hbm>>)
    %dma_wait3A_359 = arith.constant 2 : i32
    %dma_wait3A_360 = arith.constant 0 : i32
    %dma_wait3A_361 = arith.constant 0 : i32
    %dma_wait3A_362 = tpu.memref_slice %arg9[%dma_wait3A_359, %dma_wait3A_360, %dma_wait3A_361] : memref<4x128x128xf32, #tpu.memory_space<vmem>> -> memref<1x128x128xf32, #tpu.memory_space<vmem>>
    %dma_wait3A_363 = tpu.memref_squeeze %dma_wait3A_362 : memref<1x128x128xf32, #tpu.memory_space<vmem>> -> memref<128x128xf32, #tpu.memory_space<vmem>>
    %dma_wait3A_364 = arith.constant 128 : i32
    %dma_wait3A_365 = tpu.memref_slice %arg6[%add3A_294, %dma_wait3A_364] : memref<16384x256xf32, #tpu.memory_space<hbm>> -> memref<128x128xf32, #tpu.memory_space<hbm>>
    %dma_wait3A_366 = arith.constant 128 : i32
    %dma_wait3A_367 = tpu.memref_slice %arg6[%add3A_294, %dma_wait3A_366] : memref<16384x256xf32, #tpu.memory_space<hbm>> -> memref<128x128xf32, #tpu.memory_space<hbm>>
    %dma_wait3A_368 = arith.constant 0 : i32
    %dma_wait3A_369 = arith.constant 0 : i32
    %dma_wait3A_370 = tpu.memref_slice %arg9[%dma_wait3A_359, %dma_wait3A_368, %dma_wait3A_369] : memref<4x128x128xf32, #tpu.memory_space<vmem>> -> memref<1x128x128xf32, #tpu.memory_space<vmem>>
    %dma_wait3A_371 = tpu.memref_squeeze %dma_wait3A_370 : memref<1x128x128xf32, #tpu.memory_space<vmem>> -> memref<128x128xf32, #tpu.memory_space<vmem>>
    tpu.wait_dma2 semaphore(%arg16 : memref<!tpu.dma_semaphore, #tpu.memory_space<semaphore_mem>>) src(%dma_wait3A_371 : memref<128x128xf32, #tpu.memory_space<vmem>>) dst(%dma_wait3A_367 : memref<128x128xf32, #tpu.memory_space<hbm>>)
    %dma_wait3A_372 = arith.constant 3 : i32
    %dma_wait3A_373 = arith.constant 0 : i32
    %dma_wait3A_374 = arith.constant 0 : i32
    %dma_wait3A_375 = tpu.memref_slice %arg9[%dma_wait3A_372, %dma_wait3A_373, %dma_wait3A_374] : memref<4x128x128xf32, #tpu.memory_space<vmem>> -> memref<1x128x128xf32, #tpu.memory_space<vmem>>
    %dma_wait3A_376 = tpu.memref_squeeze %dma_wait3A_375 : memref<1x128x128xf32, #tpu.memory_space<vmem>> -> memref<128x128xf32, #tpu.memory_space<vmem>>
    %dma_wait3A_377 = arith.constant 128 : i32
    %dma_wait3A_378 = tpu.memref_slice %arg6[%add3A_319, %dma_wait3A_377] : memref<16384x256xf32, #tpu.memory_space<hbm>> -> memref<128x128xf32, #tpu.memory_space<hbm>>
    %dma_wait3A_379 = arith.constant 128 : i32
    %dma_wait3A_380 = tpu.memref_slice %arg6[%add3A_319, %dma_wait3A_379] : memref<16384x256xf32, #tpu.memory_space<hbm>> -> memref<128x128xf32, #tpu.memory_space<hbm>>
    %dma_wait3A_381 = arith.constant 0 : i32
    %dma_wait3A_382 = arith.constant 0 : i32
    %dma_wait3A_383 = tpu.memref_slice %arg9[%dma_wait3A_372, %dma_wait3A_381, %dma_wait3A_382] : memref<4x128x128xf32, #tpu.memory_space<vmem>> -> memref<1x128x128xf32, #tpu.memory_space<vmem>>
    %dma_wait3A_384 = tpu.memref_squeeze %dma_wait3A_383 : memref<1x128x128xf32, #tpu.memory_space<vmem>> -> memref<128x128xf32, #tpu.memory_space<vmem>>
    tpu.wait_dma2 semaphore(%arg17 : memref<!tpu.dma_semaphore, #tpu.memory_space<semaphore_mem>>) src(%dma_wait3A_384 : memref<128x128xf32, #tpu.memory_space<vmem>>) dst(%dma_wait3A_380 : memref<128x128xf32, #tpu.memory_space<hbm>>)
    return
  }
}

module attributes {stable_mosaic.version = 14 : i64} {
  func.func @_mlp_body(%arg0: i32, %arg1: memref<4096x256xf32, #tpu.memory_space<vmem>>, %arg2: memref<256x512xbf16, #tpu.memory_space<vmem>>, %arg3: memref<1x512xf32, #tpu.memory_space<vmem>>, %arg4: memref<512x256xbf16, #tpu.memory_space<vmem>>, %arg5: memref<1x256xf32, #tpu.memory_space<vmem>>, %arg6: memref<256x128xf32, #tpu.memory_space<vmem>>, %arg7: memref<1x128xf32, #tpu.memory_space<vmem>>, %arg8: memref<1x128xf32, #tpu.memory_space<vmem>>, %arg9: memref<1x1xf32, #tpu.memory_space<vmem>>, %arg10: memref<32x128xf32, #tpu.memory_space<vmem>>) attributes {dimension_semantics = [#tpu.dimension_semantics<arbitrary>], iteration_bounds = array<i64: 4>, scalar_prefetch = 0 : i64, scratch_operands = 0 : i64, tpu.core_type = #tpu.core_type<tc>, window_params = [{transform_indices = @transform_0, window_bounds = array<i64: 4096, 256>}, {pipeline_mode = #tpu.pipeline_mode<synchronous>, transform_indices = @transform_1, window_bounds = array<i64: 256, 512>}, {pipeline_mode = #tpu.pipeline_mode<synchronous>, transform_indices = @transform_2, window_bounds = array<i64: 1, 512>}, {pipeline_mode = #tpu.pipeline_mode<synchronous>, transform_indices = @transform_3, window_bounds = array<i64: 512, 256>}, {pipeline_mode = #tpu.pipeline_mode<synchronous>, transform_indices = @transform_4, window_bounds = array<i64: 1, 256>}, {pipeline_mode = #tpu.pipeline_mode<synchronous>, transform_indices = @transform_5, window_bounds = array<i64: 256, 128>}, {pipeline_mode = #tpu.pipeline_mode<synchronous>, transform_indices = @transform_6, window_bounds = array<i64: 1, 128>}, {pipeline_mode = #tpu.pipeline_mode<synchronous>, transform_indices = @transform_7, window_bounds = array<i64: 1, 128>}, {pipeline_mode = #tpu.pipeline_mode<synchronous>, transform_indices = @transform_8, window_bounds = array<i64: 1, 1>}, {transform_indices = @transform_9, window_bounds = array<i64: 32, 128>}]} {
    %get3A = arith.constant 0 : index
    %get3A_0 = arith.constant 0 : index
    %get3A_1 = vector.load %arg1[%get3A, %get3A_0] : memref<4096x256xf32, #tpu.memory_space<vmem>>, vector<4096x256xf32>
    %convert_element_type3A = arith.truncf %get3A_1 : vector<4096x256xf32> to vector<4096x256xbf16>
    %get3A_2 = arith.constant 0 : index
    %get3A_3 = arith.constant 0 : index
    %get3A_4 = vector.load %arg2[%get3A_2, %get3A_3] : memref<256x512xbf16, #tpu.memory_space<vmem>>, vector<256x512xbf16>
    %dot_general3A = arith.constant dense<0.000000e+00> : vector<4096x512xf32>
    %dot_general3A_5 = tpu.matmul %convert_element_type3A, %get3A_4, %dot_general3A {dimension_numbers = #tpu.dot_dimension_numbers<[1], [0], [0], [1], [0, 0, 1, 1], [], []>, transpose_lhs_hint = false} : vector<4096x256xbf16>, vector<256x512xbf16>, vector<4096x512xf32> -> vector<4096x512xf32>
    %get3A_6 = arith.constant 0 : index
    %get3A_7 = arith.constant 0 : index
    %get3A_8 = vector.load %arg3[%get3A_6, %get3A_7] : memref<1x512xf32, #tpu.memory_space<vmem>>, vector<1x512xf32>
    %add3A = vector.broadcast %get3A_8 : vector<1x512xf32> to vector<4096x512xf32>
    %add3A_9 = arith.addf %dot_general3A_5, %add3A : vector<4096x512xf32>
    %max3A = arith.constant 0.000000e+00 : f32
    %max3A_10 = vector.broadcast %max3A : f32 to vector<4096x512xf32>
    %max3A_11 = arith.maximumf %add3A_9, %max3A_10 : vector<4096x512xf32>
    %convert_element_type3A_12 = arith.truncf %max3A_11 : vector<4096x512xf32> to vector<4096x512xbf16>
    %get3A_13 = arith.constant 0 : index
    %get3A_14 = arith.constant 0 : index
    %get3A_15 = vector.load %arg4[%get3A_13, %get3A_14] : memref<512x256xbf16, #tpu.memory_space<vmem>>, vector<512x256xbf16>
    %dot_general3A_16 = arith.constant dense<0.000000e+00> : vector<4096x256xf32>
    %dot_general3A_17 = tpu.matmul %convert_element_type3A_12, %get3A_15, %dot_general3A_16 {dimension_numbers = #tpu.dot_dimension_numbers<[1], [0], [0], [1], [0, 0, 1, 1], [], []>, transpose_lhs_hint = false} : vector<4096x512xbf16>, vector<512x256xbf16>, vector<4096x256xf32> -> vector<4096x256xf32>
    %get3A_18 = arith.constant 0 : index
    %get3A_19 = arith.constant 0 : index
    %get3A_20 = vector.load %arg5[%get3A_18, %get3A_19] : memref<1x256xf32, #tpu.memory_space<vmem>>, vector<1x256xf32>
    %add3A_21 = vector.broadcast %get3A_20 : vector<1x256xf32> to vector<4096x256xf32>
    %add3A_22 = arith.addf %dot_general3A_17, %add3A_21 : vector<4096x256xf32>
    %max3A_23 = arith.constant 0.000000e+00 : f32
    %max3A_24 = vector.broadcast %max3A_23 : f32 to vector<4096x256xf32>
    %max3A_25 = arith.maximumf %add3A_22, %max3A_24 : vector<4096x256xf32>
    %get3A_26 = arith.constant 0 : index
    %get3A_27 = arith.constant 0 : index
    %get3A_28 = vector.load %arg6[%get3A_26, %get3A_27] : memref<256x128xf32, #tpu.memory_space<vmem>>, vector<256x128xf32>
    %dot_general3A_29 = arith.constant dense<0.000000e+00> : vector<4096x128xf32>
    %dot_general3A_30 = tpu.matmul %max3A_25, %get3A_28, %dot_general3A_29 {dimension_numbers = #tpu.dot_dimension_numbers<[1], [0], [0], [1], [0, 0, 1, 1], [], []>, transpose_lhs_hint = false} : vector<4096x256xf32>, vector<256x128xf32>, vector<4096x128xf32> -> vector<4096x128xf32>
    %get3A_31 = arith.constant 0 : index
    %get3A_32 = arith.constant 0 : index
    %get3A_33 = vector.load %arg7[%get3A_31, %get3A_32] : memref<1x128xf32, #tpu.memory_space<vmem>>, vector<1x128xf32>
    %add3A_34 = vector.broadcast %get3A_33 : vector<1x128xf32> to vector<4096x128xf32>
    %add3A_35 = arith.addf %dot_general3A_30, %add3A_34 : vector<4096x128xf32>
    %max3A_36 = arith.constant 0.000000e+00 : f32
    %max3A_37 = vector.broadcast %max3A_36 : f32 to vector<4096x128xf32>
    %max3A_38 = arith.maximumf %add3A_35, %max3A_37 : vector<4096x128xf32>
    %get3A_39 = arith.constant 0 : index
    %get3A_40 = arith.constant 0 : index
    %get3A_41 = vector.load %arg8[%get3A_39, %get3A_40] : memref<1x128xf32, #tpu.memory_space<vmem>>, vector<1x128xf32>
    %dot_general3A_42 = arith.constant dense<0.000000e+00> : vector<1x4096xf32>
    %dot_general3A_43 = tpu.matmul %get3A_41, %max3A_38, %dot_general3A_42 {dimension_numbers = #tpu.dot_dimension_numbers<[1], [1], [0], [0], [0, 0, 1, 0], [], []>, transpose_lhs_hint = false} : vector<1x128xf32>, vector<4096x128xf32>, vector<1x4096xf32> -> vector<1x4096xf32>
    %reshape3A = vector.shape_cast %dot_general3A_43 : vector<1x4096xf32> to vector<32x128xf32>
    %get3A_44 = arith.constant 0 : index
    %get3A_45 = arith.constant 0 : index
    %get3A_46 = vector.load %arg9[%get3A_44, %get3A_45] : memref<1x1xf32, #tpu.memory_space<vmem>>, vector<1x1xf32>
    %get3A_47 = vector.extract %get3A_46[0, 0] : f32 from vector<1x1xf32>
    %add3A_48 = vector.broadcast %get3A_47 : f32 to vector<32x128xf32>
    %add3A_49 = arith.addf %reshape3A, %add3A_48 : vector<32x128xf32>
    %swap3A = arith.constant 0 : index
    %swap3A_50 = arith.constant 0 : index
    %swap3A_51 = vector.load %arg10[%swap3A, %swap3A_50] : memref<32x128xf32, #tpu.memory_space<vmem>>, vector<32x128xf32>
    tpu.vector_store %arg10[%swap3A, %swap3A_50], %add3A_49 {strides = array<i32>} : memref<32x128xf32, #tpu.memory_space<vmem>>, vector<32x128xf32>,
    return
  }
  func.func @transform_0(%arg0: i32) -> (i32, i32) {
    %c0_i32 = arith.constant 0 : i32
    %c0_i32_0 = arith.constant 0 : i32
    return %arg0, %c0_i32 : i32, i32
  }
  func.func @transform_1(%arg0: i32) -> (i32, i32) {
    %c0_i32 = arith.constant 0 : i32
    %c0_i32_0 = arith.constant 0 : i32
    %c0_i32_1 = arith.constant 0 : i32
    return %c0_i32, %c0_i32_0 : i32, i32
  }
  func.func @transform_2(%arg0: i32) -> (i32, i32) {
    %c0_i32 = arith.constant 0 : i32
    %c0_i32_0 = arith.constant 0 : i32
    %c0_i32_1 = arith.constant 0 : i32
    return %c0_i32, %c0_i32_0 : i32, i32
  }
  func.func @transform_3(%arg0: i32) -> (i32, i32) {
    %c0_i32 = arith.constant 0 : i32
    %c0_i32_0 = arith.constant 0 : i32
    %c0_i32_1 = arith.constant 0 : i32
    return %c0_i32, %c0_i32_0 : i32, i32
  }
  func.func @transform_4(%arg0: i32) -> (i32, i32) {
    %c0_i32 = arith.constant 0 : i32
    %c0_i32_0 = arith.constant 0 : i32
    %c0_i32_1 = arith.constant 0 : i32
    return %c0_i32, %c0_i32_0 : i32, i32
  }
  func.func @transform_5(%arg0: i32) -> (i32, i32) {
    %c0_i32 = arith.constant 0 : i32
    %c0_i32_0 = arith.constant 0 : i32
    %c0_i32_1 = arith.constant 0 : i32
    return %c0_i32, %c0_i32_0 : i32, i32
  }
  func.func @transform_6(%arg0: i32) -> (i32, i32) {
    %c0_i32 = arith.constant 0 : i32
    %c0_i32_0 = arith.constant 0 : i32
    %c0_i32_1 = arith.constant 0 : i32
    return %c0_i32, %c0_i32_0 : i32, i32
  }
  func.func @transform_7(%arg0: i32) -> (i32, i32) {
    %c0_i32 = arith.constant 0 : i32
    %c0_i32_0 = arith.constant 0 : i32
    %c0_i32_1 = arith.constant 0 : i32
    return %c0_i32, %c0_i32_0 : i32, i32
  }
  func.func @transform_8(%arg0: i32) -> (i32, i32) {
    %c0_i32 = arith.constant 0 : i32
    %c0_i32_0 = arith.constant 0 : i32
    %c0_i32_1 = arith.constant 0 : i32
    return %c0_i32, %c0_i32_0 : i32, i32
  }
  func.func @transform_9(%arg0: i32) -> (i32, i32) {
    %c0_i32 = arith.constant 0 : i32
    %c0_i32_0 = arith.constant 0 : i32
    return %arg0, %c0_i32 : i32, i32
  }
}

</mosaic_0001>

<sc_bundles>
// kernel: kernel.4.cloned.1.call-start
scs
__scs_entry_jumppad:
0x0: {  	(pc) =	sbr.rel $0x88, $3  }
0x1: {  	(tag) =	ssettag $0x0;
	lr =	simm.s32 $0x1  }
0x2: {  	[smem:$0x3F95] =	sst lr;
	_ =	strace $0xD0000000  }
0x3: {  	_ = 	snop  }
0x4: {  	_ = 	snop  }
0x5: {  	_ = 	snop  }
0x6: {  	_ = 	snop  }
0x7: {  	_ = 	snop  }
__scs_overlays_trampoline_lowered:
0x8: {  	[smem:$0x3FA4] =	sst s0  }
0x9: {  	[smem:$0x3FA5] =	sst s1  }
0xa: {  	[smem:$0x3FA6] =	sst s2  }
0xb: {  	[smem:$0x3FA7] =	sst s3  }
0xc: {  	[smem:$0x3FA8] =	sst s4  }
0xd: {  	[smem:$0x3FA9] =	sst s5  }
0xe: {  	[smem:$0x3FAA] =	sst s6  }
0xf: {  	[smem:$0x3FAB] =	sst s7  }
0x10: {  	[smem:$0x3FAC] =	sst s8  }
0x11: {  	[smem:$0x3FAD] =	sst s9;
	s0 =	simm.s32 @!p0 $0x0  }
0x12: {  	s1 =	sld [smem:$0x3F93];
	s0 =	simm.s32 @p0 $0x1  }
0x13: {  	[smem:$0x3FAE] =	sst s0;
	s0 =	simm.s32 @!p1 $0x0  }
0x14: {  	s2 =	sld [smem:$0x3F92];
	s0 =	simm.s32 @p1 $0x1  }
0x15: {  	[smem:$0x3FAF] =	sst s0;
	s0 =	simm.s32 @!p2 $0x0  }
0x16: {  	s3 =	sld [smem:$0x3FDB];
	s0 =	simm.s32 @p2 $0x1  }
0x17: {  	s4 =	simm.s32 $0x1BF5;
	[smem:$0x3FB1] =	sst s0  }
0x18: {  	s0 =	sld [smem:$0x3F94];
	_ =	swait.ge [sflag:s4], $0x0  }
0x19: {  	s7 =	sld [smem:$0x3F95]  }
0x1a: {  	s8 =	sadd.s32 $0xFFFFE003, lr  }
0x1b: {  	s9 =	sadd.s32 $0xFFFFFEF7, lr;
	s5 =	simm.s32 $0xFFFFFFFF;
	p2 =	slt.u32 s8, $0xFFFFF086  }
0x1c: {  	p1 =	slt.u32 s9, $0xF7A;
	s5 =	simm.s32 @!p2 $0x0  }
0x1d: {  	s5 =	simm.s32 @p1 $0x1;
	p0 =	seq.s32 s7, s2  }
0x1e: {  	s7 =	smul.u32 @!p0 $0xF7A, s2;
	p2 =	seq.s32 @!p0 s5, $0x0  }
0x1f: {  	s9 =	smul.u32 $0xF7A, s1;
	s8 =	simm.s32 @!p0 $0x1BF5;
	p2 =	por !p2, p0  }
0x20: {  	[sflag:s8] =	ssyncset.s32 @!p0 $0xFFFFF086;
	s6 =	sadd.s32 @!p0 s3, s7;
	s7 =	simm.s32 @!p0 $0x108  }
0x21: {  	s3 =	sadd.s32 s3, s9;
	s6 =	sadd.s32 @!p0 $0x88, s6;
	s7 =	simm.s32 @p2 $0x1082  }
0x22: {  	[simem:s7], [sflag:s8] =	dma.local @!p0 [hbm:s6], $0xF7A  }
0x23: {  	s9 =	sor.u32 $0xD0000000, s2;
	s6 =	simm.s32 $0x108;
	_ =	swait.ge @!p0 [sflag:s8], $0x0  }
0x24: {  	s3 =	sadd.s32 $0x88, s3;
	s6 =	simm.s32 @!p1 $0x1082;
	[sflag:s4] =	ssyncset.s32 $0xFFFFF086  }
0x25: {  	[simem:s6], [sflag:s4] =	dma.local [hbm:s3], $0xF7A  }
0x26: {  	[smem:$0x3F95] =	sst s1;
	(tag) =	ssettag s2;
	_ =	strace s9  }
0x27: {  	s1 =	sld [smem:$0x3FA5]  }
0x28: {  	s2 =	sld [smem:$0x3FA6]  }
0x29: {  	s4 =	sld [smem:$0x3FA8]  }
0x2a: {  	p0 =	seq.s32 s5, $0x0;
	s5 =	sld [smem:$0x3FA9]  }
0x2b: {  	s6 =	sld [smem:$0x3FAA]  }
0x2c: {  	s7 =	sld [smem:$0x3FAB]  }
0x2d: {  	s3 =	simm.s32 $0x108;
	s8 =	sld [smem:$0x3FAC]  }
0x2e: {  	s3 =	simm.s32 @!p0 $0x1082;
	s9 =	sld [smem:$0x3FAD]  }
0x2f: {  	lr =	sadd.s32 s0, s3;
	s0 =	sld [smem:$0x3FA4]  }
0x30: {  	s3 =	sld [smem:$0x3FA7]  }
0x31: {  	[smem:$0x3FB0] =	sst s10  }
0x32: {  	s10 =	sld [smem:$0x3FAE];
	_ =	sdelay $0x3  }
0x33: {  	p0 =	seq.s32 s10, $0x1;
	s10 =	sld [smem:$0x3FB0];
	_ =	sdelay $0x3  }
0x34: {  	[smem:$0x3FB0] =	sst s10  }
0x35: {  	s10 =	sld [smem:$0x3FAF];
	_ =	sdelay $0x3  }
0x36: {  	p1 =	seq.s32 s10, $0x1;
	s10 =	sld [smem:$0x3FB0];
	_ =	sdelay $0x3  }
0x37: {  	[smem:$0x3FB0] =	sst s10  }
0x38: {  	s10 =	sld [smem:$0x3FB1]  }
0x39: {  	_ = 	snop;
	(pc) =	sbr.ind lr, $3  }
0x3a: {  	_ = 	snop  }
0x3b: {  	_ = 	snop  }
0x3c: {  	p2 =	seq.s32 s10, $0x1;
	s10 =	sld [smem:$0x3FB0]  }
0x3d: {  	_ =	shalt  }
0x3e: {  	_ =	shalt  }
0x3f: {  	_ =	shalt  }
0x40: {  	_ =	shalt  }
0x41: {  	_ =	shalt  }
0x42: {  	_ =	shalt  }
0x43: {  	_ =	shalt  }
0x44: {  	_ =	shalt  }
0x45: {  	_ =	shalt  }
0x46: {  	_ =	shalt  }
0x47: {  	_ =	shalt  }
0x48: {  	_ =	shalt  }
0x49: {  	_ =	shalt  }
0x4a: {  	_ =	shalt  }
0x4b: {  	_ =	shalt  }
0x4c: {  	_ =	shalt  }
0x4d: {  	_ =	shalt  }
0x4e: {  	_ =	shalt  }
0x4f: {  	_ =	shalt  }
0x50: {  	_ =	shalt  }
0x51: {  	_ =	shalt  }
0x52: {  	_ =	shalt  }
0x53: {  	_ =	shalt  }
0x54: {  	_ =	shalt  }
0x55: {  	_ =	shalt  }
0x56: {  	_ =	shalt  }
0x57: {  	_ =	shalt  }
0x58: {  	_ =	shalt  }
0x59: {  	_ =	shalt  }
0x5a: {  	_ =	shalt  }
0x5b: {  	_ =	shalt  }
0x5c: {  	_ =	shalt  }
0x5d: {  	_ =	shalt  }
0x5e: {  	_ =	shalt  }
0x5f: {  	_ =	shalt  }
0x60: {  	_ =	shalt  }
0x61: {  	_ =	shalt  }
0x62: {  	_ =	shalt  }
0x63: {  	_ =	shalt  }
0x64: {  	_ =	shalt  }
0x65: {  	_ =	shalt  }
0x66: {  	_ =	shalt  }
0x67: {  	_ =	shalt  }
0x68: {  	_ =	shalt  }
0x69: {  	_ =	shalt  }
0x6a: {  	_ =	shalt  }
0x6b: {  	_ =	shalt  }
0x6c: {  	_ =	shalt  }
0x6d: {  	_ =	shalt  }
0x6e: {  	_ =	shalt  }
0x6f: {  	_ =	shalt  }
0x70: {  	_ =	shalt  }
0x71: {  	_ =	shalt  }
0x72: {  	_ =	shalt  }
0x73: {  	_ =	shalt  }
0x74: {  	_ =	shalt  }
0x75: {  	_ =	shalt  }
0x76: {  	_ =	shalt  }
0x77: {  	_ =	shalt  }
0x78: {  	_ =	shalt  }
0x79: {  	_ =	shalt  }
0x7a: {  	_ =	shalt  }
0x7b: {  	_ =	shalt  }
0x7c: {  	_ =	shalt  }
0x7d: {  	_ =	shalt  }
0x7e: {  	_ =	shalt  }
0x7f: {  	_ =	shalt  }
0x80: {  	_ =	shalt  }
0x81: {  	_ =	shalt  }
0x82: {  	_ =	shalt  }
0x83: {  	_ =	shalt  }
0x84: {  	_ =	shalt  }
0x85: {  	_ =	shalt  }
0x86: {  	_ =	shalt  }
0x87: {  	_ =	shalt  }
.Lfunc_end0:
.L_simem_size_0:
called_computation_lowered:
.L_overlay_start_0:
0x88: {  	s2 =	sld [smem:$0x3FD9]  }
0x89: {  	s3 =	sld [smem:$0x3FFE];
	_ =	sdelay $0x1  }
0x8a: {  	s1 =	srdreg.scid  }
0x8b: {  	s0 =	sand.u32 $0x1, s1  }
0x8c: {  	s17 =	sshll.u32 s0, $0xA;
	s2 =	sadd.s32 s3, s2  }
0x8d: {  	s2 =	sadd.s32 s2, s17  }
0x8e: {  	[smem:$0x3FBC] =	sst s2  }
0x8f: {  	_ = 	snop  }
0x90: {  	s2 =	sld [smem:$0x3FC9]  }
0x91: {  	s18 =	sld [smem:$0x3FC8]  }
0x92: {  	s4 =	sld [smem:$0x3FC7]  }
0x93: {  	s5 =	sld [smem:$0x3FC6];
	(tm) =	ssettm $0x1  }
0x94: {  	s6 =	sld [smem:$0x3FFB];
	_ =	sdelay $0x3  }
0x95: {  	_ =	strace s6  }
0x96: {  	s6 =	sld [smem:$0x3FFC];
	_ =	sdelay $0x3  }
0x97: {  	_ =	strace s6  }
0x98: {  	s6 =	sld [smem:$0x3FFD];
	_ =	sdelay $0x3  }
0x99: {  	_ =	strace s6  }
0x9a: {  	_ =	strace $0x8FFFFFFF  }
0x9b: {  	s19 =	sld [smem:$0x3FDB];
	_ =	sdelay $0x1  }
0x9c: {  	s7 =	simm.s32 $_scs_section_size  }
0x9d: {  	s8 =	simm.s32 $_size__tile_overlayer_lowered;
	s9 =	simm.s32 $_tile_overlayer_lowered  }
0x9e: {  	s22 =	simm.s32 $0x1BFF;
	s21 =	sshll.u32 s9, $0x1;
	s6 =	sadd.s32 s7, s19  }
0x9f: {  	s10 =	simm.s32 $0x0;
	s20 =	sshll.u32 s8, $0x1;
	s8 =	sadd.s32 s21, s6  }
0xa0: {  	[timem:s10], [sflag:s22] =	dma.local [hbm:s8], s20  }
0xa1: {  	_ =	swait.ge [sflag:s22], s20  }
0xa2: {  	s7 =	ssub.s32 $0x0, s20;
	[sflag:s22] =	ssyncset.done $0x0  }
0xa3: {  	[sflag:s22] =	ssyncadd.s32 s7;
	_ =	sdelay $0x1  }
0xa4: {  	s23 =	simm.s32 $0x1B8B  }
0xa5: {  	_ =	swait.ge [sflag:s23], $0x1  }
0xa6: {  	[sflag:s23] =	ssyncset.done $0x0  }
0xa7: {  	s25 =	simm.s32 $0x1B8E;
	s24 =	sld [smem:$0x3FFE];
	[sflag:s23] =	ssyncadd.s32 $0xFFFFFFFF  }
0xa8: {  	s26 =	simm.s32 $execute0_lowered;
	[smem:$0x3FD2] =	sst s25  }
0xa9: {  	s8 =	sshll.u32 s26, $0x1;
	_ =	strace $0x80000046;
	[dreg:$0x1] =	wrdreg $0xFFFFFFFF  }
0xaa: {  	s28 =	simm.s32 $_size_execute0_lowered;
	s6 =	sadd.s32 s6, s8;
	[dreg:$0x0] =	wrdreg $0x0  }
0xab: {  	s8 =	sshll.u32 s28, $0x1;
	[dreg:$0x2] =	wrdreg s6  }
0xac: {  	[dreg:$0x3] =	wrdreg s8  }
0xad: {  	[dreg:$0x4] =	wrdreg $0xC0  }
0xae: {  	_ =	task [dreg:s10], $0x5FFFF  }
0xaf: {  	[dreg:$0x1] =	wrdreg $0xFFFFFFFF  }
0xb0: {  	[dreg:$0x0] =	wrdreg $0x60  }
0xb1: {  	[dreg:$0x2] =	wrdreg s2  }
0xb2: {  	[dreg:$0x3] =	wrdreg s18  }
0xb3: {  	[dreg:$0x4] =	wrdreg s4  }
0xb4: {  	[dreg:$0x5] =	wrdreg s5  }
0xb5: {  	[dreg:$0x6] =	wrdreg s24  }
0xb6: {  	[dreg:$0x7] =	wrdreg $0x9  }
0xb7: {  	_ =	task.clear_ibuf [dreg:s10], $0x8FFFF;
	_ =	strace $0x90000046  }
0xb8: {  	s29 =	simm.s32 $0x9;
	_ =	strace $0x80000048  }
0xb9: {  	_ =	swait.ge [sflag:s29], $0x1  }
0xba: {  	[sflag:s29] =	ssyncadd.s32 $0xFFFFFFFF  }
0xbb: {  	_ =	strace $0x90000048  }
0xbc: {  	_ =	sfence  }
0xbd: {  	s30 =	sld [smem:$0x0];
	_ =	sdelay $0x2  }
0xbe: {  	s31 =	sshll.u32 s1, $0xD;
	s1 =	sshrl.u32 s1, $0x2  }
0xbf: {  	s3 =	sand.u32 $0x4000, s31;
	s1 =	sadd.s32 s1, s30  }
0xc0: {  	s0 =	sor.u32 s3, s0;
	s1 =	sshll.u32 s1, $0x11  }
0xc1: {  	s0 =	sor.u32 s1, s0  }
0xc2: {  	s0 =	sadd.s32 $0x8F2B, s0  }
0xc3: {  	[sflag:s0] =	ssyncadd.remote.s32 $0x1  }
0xc4: {  	_ =	sfence.sel $0xFFFF  }
0xc5: {  	[dreg:$0x0] =	wrdreg $0xFFFFFFFF;
	(pc) =	sbr.abs _section_cstart, $3  }
0xc6: {  	[dreg:$0x1] =	wrdreg $0xFFFFFFFF  }
0xc7: {  	_ =	task.clear_ibuf [dreg:s10], $0x2FFFF;
	_ =	strace $0x9FFFFFFF  }
0xc8: {  	(tm) =	ssettm $0x7FFFFFFF  }
0xc9: {  	_ =	shalt  }
tec
execute0_lowered:
.L_overlay_start_1:
0x0: {  	(tag) =	ssettag $0x1  }
0x1: {  	s5 =	rddreg [dreg:$0x0]  }
0x2: {  	s6 =	rddreg [dreg:$0x1];
	s1 =	srdreg.scid  }
0x3: {  	s2 =	rddreg [dreg:$0x2];
	s0 =	stileid.u32;
	s1 =	sand.u32 $0x1, s1  }
0x4: {  	s3 =	rddreg [dreg:$0x3];
	s8 =	sshll.u32 s0, $0xA;
	s9 =	sshll.u32 s1, $0x9  }
0x5: {  	s7 =	rddreg [dreg:$0x4];
	s4 =	simm.s32 $0x0;
	s8 =	sor.u32 s9, s8  }
0x6: {  	[smem:$0x7FF] =	sst s4;
	s9 =	sshrl.u32 s8, $0x3  }
0x7: {  	_ =	strace $0x80000047;
	s8 =	sshll.u32 s8, $0x5;
	s5 =	sadd.s32 s5, s9  }
0x8: {  	s31 =	sadd.s32 s8, s7;
	s21 =	sadd.s32 s6, s9;
	[dreg:$0x6] =	wrdreg s5  }
0x9: {  	[dreg:$0x7] =	wrdreg s21;
	s22 =	sadd.s32 $0x1400, s31  }
0xa: {  	[dreg:$0x8] =	wrdreg s22  }
0xb: {  	s23 =	sadd.s32 $0x2400, s31;
	s24 =	rddreg [dreg:$0x6]  }
0xc: {  	s25 =	sadd.s32 $0x3400, s31;
	[dreg:$0x9] =	wrdreg s23  }
0xd: {  	s5 =	simm.s32 $0x9;
	[dreg:$0xa] =	wrdreg s25  }
0xe: {  	[tilespmem:s4], [sflag:$0x9] =	stream.linear.gather [hbm4b:s24+s4], $0x200, $0x38;
	[tilespmem:$0x10400] =	vst v63  }
0xf: {  	_ =	swait.ge [sflag:s5], $0x200  }
0x10: {  	[sflag:s5] =	ssyncset.done $0x0  }
0x11: {  	s6 =	simm.s32 $0x200;
	s26 =	rddreg [dreg:$0x7];
	[sflag:s5] =	ssyncadd.s32 $0xFFFFFE00  }
0x12: {  	[tilespmem:s6], [sflag:$0x9] =	stream.linear.gather [hbm4b:s26+s4], $0x200, $0x38;
	[tilespmem:$0x10400] =	vst v63  }
0x13: {  	_ =	swait.ge [sflag:s5], $0x200  }
0x14: {  	[sflag:s5] =	ssyncset.done $0x0  }
0x15: {  	s7 =	simm.s32 $0x80;
	s8 =	simm.s32 $0x400;
	[sflag:s5] =	ssyncadd.s32 $0xFFFFFE00  }
0x16: {  	[tilespmem:s8], [sflag:$0x1] =	stream.indirect.gather [hbm4b:s2+s7], $0x80, s4, s7, $0xb8;
	[tilespmem:$0x10400] =	vst v63  }
0x17: {  	s9 =	simm.s32 $0x4400  }
0x18: {  	[tilespmem:s9], [sflag:$0x2] =	stream.indirect.gather [hbm4b:s2+s7], $0x80, s7, s7, $0xb8;
	[tilespmem:$0x10400] =	vst v63  }
0x19: {  	s10 =	simm.s32 $0x100;
	s11 =	simm.s32 $0x8400  }
0x1a: {  	[tilespmem:s11], [sflag:$0x3] =	stream.indirect.gather [hbm4b:s2+s7], $0x80, s10, s7, $0xb8;
	[tilespmem:$0x10400] =	vst v63  }
0x1b: {  	s12 =	simm.s32 $0x180;
	s13 =	simm.s32 $0xC400;
	s14 =	simm.s32 $0x1  }
0x1c: {  	[tilespmem:s13], [sflag:$0x4] =	stream.indirect.gather [hbm4b:s2+s7], $0x80, s12, s7, $0xb8;
	[tilespmem:$0x10400] =	vst v63  }
0x1d: {  	_ =	swait.ge [sflag:s14], $0x4000  }
0x1e: {  	s15 =	simm.s32 $0x800;
	[sflag:s14] =	ssyncset.done $0x0  }
0x1f: {  	s16 =	simm.s32 $0x5;
	s17 =	rddreg [dreg:$0x8];
	[sflag:s14] =	ssyncadd.s32 $0xFFFFC000  }
0x20: {  	[hbm4b:s17+s8] =	stream.strided.scatter [tilespmem:s8], [sflag:$0x5], $0x4000, s15, s8, $0x38;
	[tilespmem:$0x10400] =	vst v63  }
0x21: {  	_ =	swait.ge [sflag:s16], $0x4000  }
0x22: {  	[sflag:s16] =	ssyncset.done $0x0  }
0x23: {  	s17 =	simm.s32 $0x2;
	[sflag:s16] =	ssyncadd.s32 $0xFFFFC000  }
0x24: {  	[tilespmem:s8], [sflag:$0x1] =	stream.indirect.gather [hbm4b:s3+s7], $0x80, s6, s7, $0xb8;
	[tilespmem:$0x10400] =	vst v63  }
0x25: {  	_ =	swait.ge [sflag:s17], $0x4000  }
0x26: {  	[sflag:s17] =	ssyncset.done $0x0  }
0x27: {  	s18 =	simm.s32 $0x6;
	s19 =	rddreg [dreg:$0x9];
	[sflag:s17] =	ssyncadd.s32 $0xFFFFC000  }
0x28: {  	[hbm4b:s19+s8] =	stream.strided.scatter [tilespmem:s9], [sflag:$0x6], $0x4000, s15, s8, $0x38;
	[tilespmem:$0x10400] =	vst v63  }
0x29: {  	_ =	swait.ge [sflag:s18], $0x4000  }
0x2a: {  	[sflag:s18] =	ssyncset.done $0x0  }
0x2b: {  	s20 =	simm.s32 $0x3;
	s19 =	simm.s32 $0x280;
	[sflag:s18] =	ssyncadd.s32 $0xFFFFC000  }
0x2c: {  	[tilespmem:s9], [sflag:$0x2] =	stream.indirect.gather [hbm4b:s3+s7], $0x80, s19, s7, $0xb8;
	[tilespmem:$0x10400] =	vst v63  }
0x2d: {  	_ =	swait.ge [sflag:s20], $0x4000  }
0x2e: {  	[sflag:s20] =	ssyncset.done $0x0  }
0x2f: {  	s21 =	simm.s32 $0x7;
	s22 =	rddreg [dreg:$0xa];
	[sflag:s20] =	ssyncadd.s32 $0xFFFFC000  }
0x30: {  	[hbm4b:s22+s8] =	stream.strided.scatter [tilespmem:s11], [sflag:$0x7], $0x4000, s15, s8, $0x38;
	[tilespmem:$0x10400] =	vst v63  }
0x31: {  	_ =	swait.ge [sflag:s21], $0x4000  }
0x32: {  	[sflag:s21] =	ssyncset.done $0x0  }
0x33: {  	s23 =	simm.s32 $0x4;
	s22 =	simm.s32 $0x300;
	[sflag:s21] =	ssyncadd.s32 $0xFFFFC000  }
0x34: {  	[tilespmem:s11], [sflag:$0x3] =	stream.indirect.gather [hbm4b:s3+s7], $0x80, s22, s7, $0xb8;
	[tilespmem:$0x10400] =	vst v63  }
0x35: {  	_ =	swait.ge [sflag:s23], $0x4000  }
0x36: {  	[sflag:s23] =	ssyncset.done $0x0  }
0x37: {  	s25 =	sadd.s32 $0x4400, s31;
	s24 =	simm.s32 $0x8;
	[sflag:s23] =	ssyncadd.s32 $0xFFFFC000  }
0x38: {  	[hbm4b:s25+s8] =	stream.strided.scatter [tilespmem:s13], [sflag:$0x8], $0x4000, s15, s8, $0x38;
	[tilespmem:$0x10400] =	vst v63  }
0x39: {  	_ =	swait.ge [sflag:s24], $0x4000  }
0x3a: {  	[sflag:s24] =	ssyncset.done $0x0  }
0x3b: {  	s26 =	simm.s32 $0x380;
	[sflag:s24] =	ssyncadd.s32 $0xFFFFC000  }
0x3c: {  	[tilespmem:s13], [sflag:$0x4] =	stream.indirect.gather [hbm4b:s3+s7], $0x80, s26, s7, $0xb8;
	[tilespmem:$0x10400] =	vst v63  }
0x3d: {  	_ =	swait.ge [sflag:s14], $0x4000  }
0x3e: {  	[sflag:s14] =	ssyncset.done $0x0  }
0x3f: {  	s28 =	sadd.s32 $0x1480, s31;
	[sflag:s14] =	ssyncadd.s32 $0xFFFFC000  }
0x40: {  	[hbm4b:s28+s8] =	stream.strided.scatter [tilespmem:s8], [sflag:$0x5], $0x4000, s15, s8, $0x38;
	[tilespmem:$0x10400] =	vst v63  }
0x41: {  	_ =	swait.ge [sflag:s17], $0x4000  }
0x42: {  	[sflag:s17] =	ssyncset.done $0x0  }
0x43: {  	s29 =	sadd.s32 $0x2480, s31;
	[sflag:s17] =	ssyncadd.s32 $0xFFFFC000  }
0x44: {  	[hbm4b:s29+s8] =	stream.strided.scatter [tilespmem:s9], [sflag:$0x6], $0x4000, s15, s8, $0x38;
	[tilespmem:$0x10400] =	vst v63  }
0x45: {  	_ =	swait.ge [sflag:s20], $0x4000  }
0x46: {  	[sflag:s20] =	ssyncset.done $0x0  }
0x47: {  	s30 =	sadd.s32 $0x3480, s31;
	[sflag:s20] =	ssyncadd.s32 $0xFFFFC000  }
0x48: {  	[hbm4b:s30+s8] =	stream.strided.scatter [tilespmem:s11], [sflag:$0x7], $0x4000, s15, s8, $0x38;
	[tilespmem:$0x10400] =	vst v63  }
0x49: {  	_ =	swait.ge [sflag:s23], $0x4000  }
0x4a: {  	[sflag:s23] =	ssyncset.done $0x0  }
0x4b: {  	s31 =	sadd.s32 $0x4480, s31;
	[sflag:s23] =	ssyncadd.s32 $0xFFFFC000  }
0x4c: {  	[hbm4b:s31+s8] =	stream.strided.scatter [tilespmem:s13], [sflag:$0x8], $0x4000, s15, s8, $0x38;
	[tilespmem:$0x10400] =	vst v63  }
0x4d: {  	s1 =	ssub.s32 $0x2, s1;
	_ =	swait.ge [sflag:s16], $0x4000  }
0x4e: {  	s0 =	sshrl.u32 s1, $0x1;
	[sflag:s16] =	ssyncset.done $0x0  }
0x4f: {  	s0 =	ssub.s32 s1, s0;
	[sflag:s16] =	ssyncadd.s32 $0xFFFFC000  }
0x50: {  	s0 =	smax.u32 s0, $0x1;
	_ =	swait.ge [sflag:s18], $0x4000  }
0x51: {  	p0 =	sne.s32 s0, $0x1;
	[sflag:s18] =	ssyncset.done $0x0  }
.Ltmp0:
0x52: {  	[sflag:s18] =	ssyncadd.s32 $0xFFFFC000;
	(pc) =	sbr.rel @!p0 .LBB2_2-.Ltmp0, $4  }
0x53: {  	_ =	swait.ge [sflag:s21], $0x4000  }
0x54: {  	[sflag:s21] =	ssyncset.done $0x0  }
0x55: {  	[sflag:s21] =	ssyncadd.s32 $0xFFFFC000  }
0x56: {  	s1 =	sadd.s32 $0xFFFFFFFF, s0;
	_ =	swait.ge [sflag:s24], $0x4000  }
.LBB2_1:
0x57: {  	[sflag:s24] =	ssyncset.done $0x0  }
0x58: {  	s0 =	rddreg [dreg:$0x6];
	[sflag:s24] =	ssyncadd.s32 $0xFFFFC000  }
0x59: {  	[tilespmem:s4], [sflag:$0x9] =	stream.linear.gather [hbm4b:s0+s4], $0x200, $0x38;
	[tilespmem:$0x10400] =	vst v63  }
0x5a: {  	_ =	swait.ge [sflag:s5], $0x200  }
0x5b: {  	[sflag:s5] =	ssyncset.done $0x0  }
0x5c: {  	s0 =	rddreg [dreg:$0x7];
	[sflag:s5] =	ssyncadd.s32 $0xFFFFFE00  }
0x5d: {  	[tilespmem:s6], [sflag:$0x9] =	stream.linear.gather [hbm4b:s0+s4], $0x200, $0x38;
	[tilespmem:$0x10400] =	vst v63  }
0x5e: {  	_ =	swait.ge [sflag:s5], $0x200  }
0x5f: {  	[sflag:s5] =	ssyncset.done $0x0  }
0x60: {  	[sflag:s5] =	ssyncadd.s32 $0xFFFFFE00  }
0x61: {  	[tilespmem:s8], [sflag:$0x1] =	stream.indirect.gather [hbm4b:s2+s7], $0x80, s4, s7, $0xb8;
	[tilespmem:$0x10400] =	vst v63  }
0x62: {  	_ = 	snop  }
0x63: {  	[tilespmem:s9], [sflag:$0x2] =	stream.indirect.gather [hbm4b:s2+s7], $0x80, s7, s7, $0xb8;
	[tilespmem:$0x10400] =	vst v63  }
0x64: {  	_ = 	snop  }
0x65: {  	[tilespmem:s11], [sflag:$0x3] =	stream.indirect.gather [hbm4b:s2+s7], $0x80, s10, s7, $0xb8;
	[tilespmem:$0x10400] =	vst v63  }
0x66: {  	_ = 	snop  }
0x67: {  	[tilespmem:s13], [sflag:$0x4] =	stream.indirect.gather [hbm4b:s2+s7], $0x80, s12, s7, $0xb8;
	[tilespmem:$0x10400] =	vst v63  }
0x68: {  	_ =	swait.ge [sflag:s14], $0x4000  }
0x69: {  	[sflag:s14] =	ssyncset.done $0x0  }
0x6a: {  	s0 =	rddreg [dreg:$0x8];
	[sflag:s14] =	ssyncadd.s32 $0xFFFFC000  }
0x6b: {  	[hbm4b:s0+s8] =	stream.strided.scatter [tilespmem:s8], [sflag:$0x5], $0x4000, s15, s8, $0x38;
	[tilespmem:$0x10400] =	vst v63  }
0x6c: {  	_ =	swait.ge [sflag:s16], $0x4000  }
0x6d: {  	[sflag:s16] =	ssyncset.done $0x0  }
0x6e: {  	[sflag:s16] =	ssyncadd.s32 $0xFFFFC000  }
0x6f: {  	[tilespmem:s8], [sflag:$0x1] =	stream.indirect.gather [hbm4b:s3+s7], $0x80, s6, s7, $0xb8;
	[tilespmem:$0x10400] =	vst v63  }
0x70: {  	_ =	swait.ge [sflag:s17], $0x4000  }
0x71: {  	[sflag:s17] =	ssyncset.done $0x0  }
0x72: {  	s0 =	rddreg [dreg:$0x9];
	[sflag:s17] =	ssyncadd.s32 $0xFFFFC000  }
0x73: {  	[hbm4b:s0+s8] =	stream.strided.scatter [tilespmem:s9], [sflag:$0x6], $0x4000, s15, s8, $0x38;
	[tilespmem:$0x10400] =	vst v63  }
0x74: {  	_ =	swait.ge [sflag:s18], $0x4000  }
0x75: {  	[sflag:s18] =	ssyncset.done $0x0  }
0x76: {  	[sflag:s18] =	ssyncadd.s32 $0xFFFFC000  }
0x77: {  	[tilespmem:s9], [sflag:$0x2] =	stream.indirect.gather [hbm4b:s3+s7], $0x80, s19, s7, $0xb8;
	[tilespmem:$0x10400] =	vst v63  }
0x78: {  	_ =	swait.ge [sflag:s20], $0x4000  }
0x79: {  	[sflag:s20] =	ssyncset.done $0x0  }
0x7a: {  	s0 =	rddreg [dreg:$0xa];
	[sflag:s20] =	ssyncadd.s32 $0xFFFFC000  }
0x7b: {  	[hbm4b:s0+s8] =	stream.strided.scatter [tilespmem:s11], [sflag:$0x7], $0x4000, s15, s8, $0x38;
	[tilespmem:$0x10400] =	vst v63  }
0x7c: {  	_ =	swait.ge [sflag:s21], $0x4000  }
0x7d: {  	[sflag:s21] =	ssyncset.done $0x0  }
0x7e: {  	[sflag:s21] =	ssyncadd.s32 $0xFFFFC000  }
0x7f: {  	[tilespmem:s11], [sflag:$0x3] =	stream.indirect.gather [hbm4b:s3+s7], $0x80, s22, s7, $0xb8;
	[tilespmem:$0x10400] =	vst v63  }
0x80: {  	_ =	swait.ge [sflag:s23], $0x4000  }
0x81: {  	[sflag:s23] =	ssyncset.done $0x0  }
0x82: {  	[sflag:s23] =	ssyncadd.s32 $0xFFFFC000  }
0x83: {  	[hbm4b:s25+s8] =	stream.strided.scatter [tilespmem:s13], [sflag:$0x8], $0x4000, s15, s8, $0x38;
	[tilespmem:$0x10400] =	vst v63  }
0x84: {  	_ =	swait.ge [sflag:s24], $0x4000  }
0x85: {  	[sflag:s24] =	ssyncset.done $0x0  }
0x86: {  	[sflag:s24] =	ssyncadd.s32 $0xFFFFC000  }
0x87: {  	[tilespmem:s13], [sflag:$0x4] =	stream.indirect.gather [hbm4b:s3+s7], $0x80, s26, s7, $0xb8;
	[tilespmem:$0x10400] =	vst v63  }
0x88: {  	_ =	swait.ge [sflag:s14], $0x4000  }
0x89: {  	[sflag:s14] =	ssyncset.done $0x0  }
0x8a: {  	[sflag:s14] =	ssyncadd.s32 $0xFFFFC000  }
0x8b: {  	[hbm4b:s28+s8] =	stream.strided.scatter [tilespmem:s8], [sflag:$0x5], $0x4000, s15, s8, $0x38;
	[tilespmem:$0x10400] =	vst v63  }
0x8c: {  	_ =	swait.ge [sflag:s17], $0x4000  }
0x8d: {  	[sflag:s17] =	ssyncset.done $0x0  }
0x8e: {  	[sflag:s17] =	ssyncadd.s32 $0xFFFFC000  }
0x8f: {  	[hbm4b:s29+s8] =	stream.strided.scatter [tilespmem:s9], [sflag:$0x6], $0x4000, s15, s8, $0x38;
	[tilespmem:$0x10400] =	vst v63  }
0x90: {  	_ =	swait.ge [sflag:s20], $0x4000  }
0x91: {  	[sflag:s20] =	ssyncset.done $0x0  }
0x92: {  	[sflag:s20] =	ssyncadd.s32 $0xFFFFC000  }
0x93: {  	[hbm4b:s30+s8] =	stream.strided.scatter [tilespmem:s11], [sflag:$0x7], $0x4000, s15, s8, $0x38;
	[tilespmem:$0x10400] =	vst v63  }
0x94: {  	_ =	swait.ge [sflag:s23], $0x4000  }
0x95: {  	[sflag:s23] =	ssyncset.done $0x0  }
0x96: {  	[sflag:s23] =	ssyncadd.s32 $0xFFFFC000  }
0x97: {  	[hbm4b:s31+s8] =	stream.strided.scatter [tilespmem:s13], [sflag:$0x8], $0x4000, s15, s8, $0x38;
	[tilespmem:$0x10400] =	vst v63  }
0x98: {  	_ =	swait.ge [sflag:s16], $0x4000  }
0x99: {  	[sflag:s16] =	ssyncset.done $0x0  }
0x9a: {  	[sflag:s16] =	ssyncadd.s32 $0xFFFFC000  }
0x9b: {  	_ =	swait.ge [sflag:s18], $0x4000  }
0x9c: {  	p0 =	sne.s32 s1, $0x1;
	[sflag:s18] =	ssyncset.done $0x0  }
.Ltmp1:
0x9d: {  	[sflag:s18] =	ssyncadd.s32 $0xFFFFC000;
	(pc) =	sbr.rel @p0 .LBB2_1-.Ltmp1, $4  }
0x9e: {  	_ =	swait.ge [sflag:s21], $0x4000  }
0x9f: {  	[sflag:s21] =	ssyncset.done $0x0  }
0xa0: {  	[sflag:s21] =	ssyncadd.s32 $0xFFFFC000  }
0xa1: {  	s1 =	sadd.s32 $0xFFFFFFFF, s1;
	_ =	swait.ge [sflag:s24], $0x4000  }
.LBB2_2:
0xa2: {  	[sflag:s24] =	ssyncset.done $0x0  }
0xa3: {  	[sflag:s24] =	ssyncadd.s32 $0xFFFFC000  }
0xa4: {  	_ =	sfence.sel $0x180000  }
0xa5: {  	[bflag:$0x0] =	sbarrier.arrive $0xFFFF  }
0xa6: {  	_ =	strace $0x90000047  }
0xa7: {  	s0 =	stileid.u32;
	[bflag:$0x2] =	sbarrier.arrive $0xFFFF  }
0xa8: {  	p0 =	sne.s32 s0, $0x0;
	s0 =	rddreg [dreg:$0x5]  }
0xa9: {  	s0 =	sadd.s32 @!p0 $0x100000, s0  }
0xaa: {  	[sflag:s0] =	ssyncadd.tile.s32 @!p0 $0x1;
	_ =	shalt  }
.Lfunc_end2:
_tile_overlayer_lowered:
.L_overlay_start_2:
0xab: {  	(tag) =	ssettag $0x2  }
0xac: {  	s0 =	rddreg [dreg:$0x0];
	s2 =	stileid.u32  }
0xad: {  	s1 =	rddreg [dreg:$0x1];
	p0 =	sne.s32 s2, $0x0  }
0xae: {  	s3 =	rddreg [dreg:$0x2];
	[bflag:$0x3] =	sbarrier.arrive $0xFFFF;
	s2 =	simm.s32 @!p0 $0x1C09  }
0xaf: {  	[timem:s3], [sflag:s2] =	dma.local @!p0 [hbm:s0], s1  }
0xb0: {  	s0 =	simm.s32 @!p0 $0x9  }
0xb1: {  	_ =	swait.ge @!p0 [sflag:s0], s1  }
0xb2: {  	s1 =	ssub.s32 @!p0 $0x0, s1;
	[sflag:s0] =	ssyncset.done @!p0 $0x0  }
0xb3: {  	[sflag:s0] =	ssyncadd.s32 @!p0 s1  }
0xb4: {  	[bflag:$0x3] =	sbarrier.arrive $0xFFFF  }
0xb5: {  	_ =	shalt  }

</sc_bundles>
